<compile_context>
chip_gen: v7x
topology: tpu7x:2x2x1
jax: 0.10.2.dev20260603
libtpu: 0.0.44.dev20260713+nightly
codegen_flags: <defaults>
</compile_context>

<pallas_src>
import functools

import jax
import jax.numpy as jnp
from jax import lax
from jax.experimental import pallas as pl
from jax.experimental.pallas import tpu as pltpu
from jax.experimental.pallas import tpu_sc as plsc

_NC = 2
_NSC = 16
_NW = _NC * _NSC
_SC_FRAC = 4
_CH = 128
_TC_STRIPS = 12
_TC_D = 4



def _tc_body(a, p, scale_ref, x_hbm, o_hbm, in_buf, out_buf, in_sems,
             out_sems):
    sr = a // _TC_STRIPS

    def in_copy(s):
        return pltpu.make_async_copy(
            x_hbm.at[0, pl.ds(s * sr, sr), :], in_buf.at[s % _TC_D],
            in_sems.at[s % _TC_D])

    def out_copy(s):
        return pltpu.make_async_copy(
            out_buf.at[s % _TC_D], o_hbm.at[pl.ds(s * sr, sr), :],
            out_sems.at[s % _TC_D])

    scale = scale_ref[0]
    for s in range(_TC_D):
        in_copy(s).start()
    for s in range(_TC_STRIPS):
        slot = s % _TC_D
        in_copy(s).wait()
        if s >= _TC_D:
            out_copy(s - _TC_D).wait()
        e = jnp.exp(in_buf[slot] * scale)
        out_buf[slot] = e / jnp.sum(e, axis=-1, keepdims=True)
        out_copy(s).start()
        if s + _TC_D < _TC_STRIPS:
            in_copy(s + _TC_D).start()
    for s in range(_TC_STRIPS - _TC_D, _TC_STRIPS):
        out_copy(s).wait()



def _lane_sum(v):
    dnums = lax.GatherDimensionNumbers(
        offset_dims=(), collapsed_slice_dims=(0,), start_index_map=(0,))
    lanes = lax.iota(jnp.int32, 16)
    for m in (8, 4, 2, 1):
        perm = lax.gather(v, (lanes ^ m)[:, None], dnums, (1,),
                          mode=lax.GatherScatterMode.PROMISE_IN_BOUNDS)
        v = v + perm
    return v


def _sc_body(a, n, p, scale_hbm, x_hbm, o_hbm, scale_v,
             b0, b1, i0, i1, o0, o1):
    rpw = (n - a) // _NW
    nch = rpw // _CH
    bufs = (b0, b1)
    isems = (i0, i1)
    osems = (o0, o1)
    nd = min(2, nch)
    wid = lax.axis_index("s") * _NC + lax.axis_index("c")
    base = wid * rpw
    pltpu.sync_copy(scale_hbm, scale_v)
    vs = scale_v[...]

    def in_copy(k):
        return pltpu.make_async_copy(
            x_hbm.at[0, pl.ds(a + base + k * _CH, _CH), :], bufs[k % nd],
            isems[k % nd])

    def out_copy(k):
        return pltpu.make_async_copy(
            bufs[k % nd], o_hbm.at[pl.ds(base + k * _CH, _CH), :],
            osems[k % nd])

    def compute(buf):
        def one_row(r):
            e0 = jnp.exp(buf[r, pl.ds(0, 16)] * vs)
            e1 = jnp.exp(buf[r, pl.ds(16, 16)] * vs)
            e2 = jnp.exp(buf[r, pl.ds(32, 16)] * vs)
            e3 = jnp.exp(buf[r, pl.ds(48, 16)] * vs)
            inv = 1.0 / _lane_sum(e0 + e1 + e2 + e3)
            buf[r, pl.ds(0, 16)] = e0 * inv
            buf[r, pl.ds(16, 16)] = e1 * inv
            buf[r, pl.ds(32, 16)] = e2 * inv
            buf[r, pl.ds(48, 16)] = e3 * inv

        def rows(i, c):
            r = i * 4
            one_row(r)
            one_row(r + 1)
            one_row(r + 2)
            one_row(r + 3)
            return c

        lax.fori_loop(0, _CH // 4, rows, 0)

    for k in range(nd):
        in_copy(k).start()
    for k in range(nch):
        in_copy(k).wait()
        if k >= nd:
            out_copy(k - nd).wait()
        compute(bufs[k % nd])
        out_copy(k).start()
        if k + nd < nch:
            in_copy(k + nd).start()
    for k in range(max(0, nch - nd), nch):
        out_copy(k).wait()


def kernel(branch, par, chi, t):
    _, n, p = branch.shape
    a = n - n // _SC_FRAC
    sr = a // _TC_STRIPS
    scale_s = (2.0 / jnp.asarray(t, jnp.float32)).reshape(1)
    scale_v = jnp.full((16,), 2.0 / jnp.asarray(t, jnp.float32), jnp.float32)

    mesh = plsc.VectorSubcoreMesh(
        core_axis_name="c", subcore_axis_name="s",
        num_cores=_NC, num_subcores=_NSC)
    sc_part = pl.kernel(
        functools.partial(_sc_body, a, n, p),
        out_type=jax.ShapeDtypeStruct((n - a, p), jnp.float32),
        mesh=mesh,
        scratch_types=[pltpu.VMEM((16,), jnp.float32)]
        + [pltpu.VMEM((_CH, p), jnp.float32) for _ in range(2)]
        + [pltpu.SemaphoreType.DMA for _ in range(4)],
    )(scale_v, branch)

    tc_full = pl.pallas_call(
        functools.partial(_tc_body, a, p),
        in_specs=[
            pl.BlockSpec(memory_space=pltpu.SMEM),
            pl.BlockSpec(memory_space=pl.ANY),
        ],
        out_specs=pl.BlockSpec(memory_space=pl.ANY),
        out_shape=jax.ShapeDtypeStruct((n, p), jnp.float32),
        scratch_shapes=[
            pltpu.VMEM((_TC_D, sr, p), jnp.float32),
            pltpu.VMEM((_TC_D, sr, p), jnp.float32),
            pltpu.SemaphoreType.DMA((_TC_D,)),
            pltpu.SemaphoreType.DMA((_TC_D,)),
        ],
    )(scale_s, branch)

    return lax.dynamic_update_slice(tc_full, sc_part, (a, 0))

# --- scband reference (transcript-rebuilt; emitter-appended) ---
"""Pipeline reference for scband-learntobranch-51479478009965 (READ-ONLY COPY).

The authoritative reference and input builder live on the scoring server;
editing this copy changes nothing except your own understanding.
"""

import jax, jax.numpy as jnp
import numpy as np


def gumbel_softmax(s, t=1.0):
    e = jnp.exp(s / t)
    return e / jnp.sum(e, axis=1).reshape(-1, 1)


def setup_inputs(seed: int = 0) -> dict:
    key = jax.random.key(seed)
    branch = jax.random.normal(key, (1, 32768, 64), dtype=jnp.float32)
    return {"branch": branch, "par": 64, "chi": 32768, "t": 1}


def reference(branch, par, chi, t):
    # training=True path of LEARNTOBRANCH.branching_op
    pro = branch[0]                      # [chi, par]
    pro = gumbel_softmax(pro, 0.5)       # softmax over experts (dim 1) with temp 0.5
    # loop 'd[i] += log(pro[i])' over all i == elementwise log
    d = jnp.log(pro)                     # [chi, par]
    d = gumbel_softmax(d, jnp.asarray(t, dtype=jnp.float32))      # re-normalize with temperature t
    return d

if __name__ == "__main__":
    import jax
    _d = setup_inputs()
    print(jax.jit(kernel)(*tuple(_d.values())))

</pallas_src>

<mosaic_0001>
#map = affine_map<(d0, d1) -> (0)>
#map1 = affine_map<(d0, d1) -> (0, 0, 0)>
#map2 = affine_map<(d0, d1) -> (0, 0)>
module attributes {stable_mosaic.version = 14 : i64} {
  func.func @_sc_body(%arg0: i32, %arg1: i32, %arg2: memref<16xf32, #tpu.memory_space<hbm>>, %arg3: memref<1x32768x64xf32, #tpu.memory_space<hbm>>, %arg4: memref<8192x64xf32, #tpu.memory_space<hbm>>, %arg5: memref<16xf32, #tpu.memory_space<vmem>>, %arg6: memref<128x64xf32, #tpu.memory_space<vmem>>, %arg7: memref<128x64xf32, #tpu.memory_space<vmem>>, %arg8: memref<!tpu.dma_semaphore, #tpu.memory_space<semaphore_mem>>, %arg9: memref<!tpu.dma_semaphore, #tpu.memory_space<semaphore_mem>>, %arg10: memref<!tpu.dma_semaphore, #tpu.memory_space<semaphore_mem>>, %arg11: memref<!tpu.dma_semaphore, #tpu.memory_space<semaphore_mem>>) attributes {dimension_semantics = [#tpu.dimension_semantics<core_parallel>, #tpu.dimension_semantics<subcore_parallel>], iteration_bounds = array<i64: 2, 16>, scalar_prefetch = 0 : i64, scratch_operands = 7 : i64, tpu.core_type = #tpu.core_type<sc_vector_subcore>, window_params = [{transform_indices = #map}, {transform_indices = #map1}, {transform_indices = #map2}]} {
    %mul3A = arith.constant 2 : i32
    %mul3A_0 = arith.muli %arg1, %mul3A : i32
    %add3A = arith.addi %mul3A_0, %arg0 : i32
    %mul3A_1 = arith.constant 256 : i32
    %mul3A_2 = arith.muli %add3A, %mul3A_1 : i32
    "tpu.region"() ({
      %run_scoped3A = tpu.sem_alloc : memref<!tpu.dma_semaphore, #tpu.memory_space<semaphore_mem>>
      tpu.enqueue_dma source(%arg2 : memref<16xf32, #tpu.memory_space<hbm>>) target(%arg5 : memref<16xf32, #tpu.memory_space<vmem>>) target_semaphore(%run_scoped3A : memref<!tpu.dma_semaphore, #tpu.memory_space<semaphore_mem>>)
      tpu.wait_dma2 semaphore(%run_scoped3A : memref<!tpu.dma_semaphore, #tpu.memory_space<semaphore_mem>>) src(%arg2 : memref<16xf32, #tpu.memory_space<hbm>>) dst(%arg5 : memref<16xf32, #tpu.memory_space<vmem>>)
      tpu.yield
    }) : () -> ()
    %get3A = arith.constant 0 : index
    %get3A_3 = tpu.vector_load %arg5[%get3A] {strides = array<i32>} : memref<16xf32, #tpu.memory_space<vmem>>, vector<16xf32>,
    %get3A_4 = vector.shape_cast %get3A_3 : vector<16xf32> to vector<16xf32>
    %add3A_5 = arith.constant 24576 : i32
    %add3A_6 = arith.addi %add3A_5, %mul3A_2 : i32
    %add3A_7 = arith.constant 0 : i32
    %add3A_8 = arith.addi %add3A_6, %add3A_7 : i32
    %dma_start3A = arith.constant 0 : i32
    %dma_start3A_9 = arith.constant 0 : i32
    %dma_start3A_10 = tpu.memref_slice %arg3[%dma_start3A, %add3A_8, %dma_start3A_9] : memref<1x32768x64xf32, #tpu.memory_space<hbm>> -> memref<1x128x64xf32, #tpu.memory_space<hbm>>
    %dma_start3A_11 = tpu.memref_squeeze %dma_start3A_10 : memref<1x128x64xf32, #tpu.memory_space<hbm>> -> memref<128x64xf32, #tpu.memory_space<hbm>>
    %dma_start3A_12 = arith.constant 0 : i32
    %dma_start3A_13 = tpu.memref_slice %arg3[%dma_start3A, %add3A_8, %dma_start3A_12] : memref<1x32768x64xf32, #tpu.memory_space<hbm>> -> memref<1x128x64xf32, #tpu.memory_space<hbm>>
    %dma_start3A_14 = tpu.memref_squeeze %dma_start3A_13 : memref<1x128x64xf32, #tpu.memory_space<hbm>> -> memref<128x64xf32, #tpu.memory_space<hbm>>
    tpu.enqueue_dma source(%dma_start3A_14 : memref<128x64xf32, #tpu.memory_space<hbm>>) target(%arg6 : memref<128x64xf32, #tpu.memory_space<vmem>>) target_semaphore(%arg8 : memref<!tpu.dma_semaphore, #tpu.memory_space<semaphore_mem>>)
    %add3A_15 = arith.constant 24576 : i32
    %add3A_16 = arith.addi %add3A_15, %mul3A_2 : i32
    %add3A_17 = arith.constant 128 : i32
    %add3A_18 = arith.addi %add3A_16, %add3A_17 : i32
    %dma_start3A_19 = arith.constant 0 : i32
    %dma_start3A_20 = arith.constant 0 : i32
    %dma_start3A_21 = tpu.memref_slice %arg3[%dma_start3A_19, %add3A_18, %dma_start3A_20] : memref<1x32768x64xf32, #tpu.memory_space<hbm>> -> memref<1x128x64xf32, #tpu.memory_space<hbm>>
    %dma_start3A_22 = tpu.memref_squeeze %dma_start3A_21 : memref<1x128x64xf32, #tpu.memory_space<hbm>> -> memref<128x64xf32, #tpu.memory_space<hbm>>
    %dma_start3A_23 = arith.constant 0 : i32
    %dma_start3A_24 = tpu.memref_slice %arg3[%dma_start3A_19, %add3A_18, %dma_start3A_23] : memref<1x32768x64xf32, #tpu.memory_space<hbm>> -> memref<1x128x64xf32, #tpu.memory_space<hbm>>
    %dma_start3A_25 = tpu.memref_squeeze %dma_start3A_24 : memref<1x128x64xf32, #tpu.memory_space<hbm>> -> memref<128x64xf32, #tpu.memory_space<hbm>>
    tpu.enqueue_dma source(%dma_start3A_25 : memref<128x64xf32, #tpu.memory_space<hbm>>) target(%arg7 : memref<128x64xf32, #tpu.memory_space<vmem>>) target_semaphore(%arg9 : memref<!tpu.dma_semaphore, #tpu.memory_space<semaphore_mem>>)
    %add3A_26 = arith.constant 24576 : i32
    %add3A_27 = arith.addi %add3A_26, %mul3A_2 : i32
    %add3A_28 = arith.constant 0 : i32
    %add3A_29 = arith.addi %add3A_27, %add3A_28 : i32
    %dma_wait3A = arith.constant 0 : i32
    %dma_wait3A_30 = arith.constant 0 : i32
    %dma_wait3A_31 = tpu.memref_slice %arg3[%dma_wait3A, %add3A_29, %dma_wait3A_30] : memref<1x32768x64xf32, #tpu.memory_space<hbm>> -> memref<1x128x64xf32, #tpu.memory_space<hbm>>
    %dma_wait3A_32 = tpu.memref_squeeze %dma_wait3A_31 : memref<1x128x64xf32, #tpu.memory_space<hbm>> -> memref<128x64xf32, #tpu.memory_space<hbm>>
    %dma_wait3A_33 = arith.constant 0 : i32
    %dma_wait3A_34 = tpu.memref_slice %arg3[%dma_wait3A, %add3A_29, %dma_wait3A_33] : memref<1x32768x64xf32, #tpu.memory_space<hbm>> -> memref<1x128x64xf32, #tpu.memory_space<hbm>>
    %dma_wait3A_35 = tpu.memref_squeeze %dma_wait3A_34 : memref<1x128x64xf32, #tpu.memory_space<hbm>> -> memref<128x64xf32, #tpu.memory_space<hbm>>
    tpu.wait_dma2 semaphore(%arg8 : memref<!tpu.dma_semaphore, #tpu.memory_space<semaphore_mem>>) src(%dma_wait3A_35 : memref<128x64xf32, #tpu.memory_space<hbm>>) dst(%arg6 : memref<128x64xf32, #tpu.memory_space<vmem>>)
    %scan3A = arith.constant 0 : i32
    %scan3A_36 = arith.constant 0 : i32
    %scan3A_37 = arith.constant 32 : i32
    %scan3A_38 = arith.addi %scan3A_36, %scan3A_37 : i32
    %scan3A_39 = arith.constant 1 : i32
    scf.for %scan3A_82 = %scan3A_36 to %scan3A_38 step %scan3A_39  : i32 {
      %mul3A_83 = arith.constant 4 : i32
      %mul3A_84 = arith.muli %scan3A_82, %mul3A_83 : i32
      %get3A_85 = arith.index_cast %mul3A_84 : i32 to index
      %get3A_86 = arith.constant 0 : index
      %get3A_87 = tpu.vector_load %arg6[%get3A_85, %get3A_86] {strides = array<i32>} : memref<128x64xf32, #tpu.memory_space<vmem>>, vector<1x16xf32>,
      %get3A_88 = vector.shape_cast %get3A_87 : vector<1x16xf32> to vector<16xf32>
      %mul3A_89 = arith.mulf %get3A_88, %get3A_4 : vector<16xf32>
      %exp3A = math.exp %mul3A_89 : vector<16xf32>
      %get3A_90 = arith.index_cast %mul3A_84 : i32 to index
      %get3A_91 = arith.constant 16 : index
      %get3A_92 = tpu.vector_load %arg6[%get3A_90, %get3A_91] {strides = array<i32>} : memref<128x64xf32, #tpu.memory_space<vmem>>, vector<1x16xf32>,
      %get3A_93 = vector.shape_cast %get3A_92 : vector<1x16xf32> to vector<16xf32>
      %mul3A_94 = arith.mulf %get3A_93, %get3A_4 : vector<16xf32>
      %exp3A_95 = math.exp %mul3A_94 : vector<16xf32>
      %get3A_96 = arith.index_cast %mul3A_84 : i32 to index
      %get3A_97 = arith.constant 32 : index
      %get3A_98 = tpu.vector_load %arg6[%get3A_96, %get3A_97] {strides = array<i32>} : memref<128x64xf32, #tpu.memory_space<vmem>>, vector<1x16xf32>,
      %get3A_99 = vector.shape_cast %get3A_98 : vector<1x16xf32> to vector<16xf32>
      %mul3A_100 = arith.mulf %get3A_99, %get3A_4 : vector<16xf32>
      %exp3A_101 = math.exp %mul3A_100 : vector<16xf32>
      %get3A_102 = arith.index_cast %mul3A_84 : i32 to index
      %get3A_103 = arith.constant 48 : index
      %get3A_104 = tpu.vector_load %arg6[%get3A_102, %get3A_103] {strides = array<i32>} : memref<128x64xf32, #tpu.memory_space<vmem>>, vector<1x16xf32>,
      %get3A_105 = vector.shape_cast %get3A_104 : vector<1x16xf32> to vector<16xf32>
      %mul3A_106 = arith.mulf %get3A_105, %get3A_4 : vector<16xf32>
      %exp3A_107 = math.exp %mul3A_106 : vector<16xf32>
      %add3A_108 = arith.addf %exp3A, %exp3A_95 : vector<16xf32>
      %add3A_109 = arith.addf %add3A_108, %exp3A_101 : vector<16xf32>
      %add3A_110 = arith.addf %add3A_109, %exp3A_107 : vector<16xf32>
      %iota3A = tpu.iota {dimensions = array<i32: 0>} : vector<16xi32>
      %xor3A = arith.constant 8 : i32
      %xor3A_111 = vector.broadcast %xor3A : i32 to vector<16xi32>
      %xor3A_112 = arith.xori %iota3A, %xor3A_111 : vector<16xi32>
      %broadcast_in_dim3A = vector.shape_cast %xor3A_112 : vector<16xi32> to vector<16x1xi32>
      %gather3A = vector.shape_cast %broadcast_in_dim3A : vector<16x1xi32> to vector<16xi32>
      %gather3A_113 = tpu.dynamic_gather %add3A_110[%gather3A] in [0] : vector<16xf32>, vector<16xi32> -> vector<16xf32>
      %add3A_114 = arith.addf %add3A_110, %gather3A_113 : vector<16xf32>
      %xor3A_115 = arith.constant 4 : i32
      %xor3A_116 = vector.broadcast %xor3A_115 : i32 to vector<16xi32>
      %xor3A_117 = arith.xori %iota3A, %xor3A_116 : vector<16xi32>
      %broadcast_in_dim3A_118 = vector.shape_cast %xor3A_117 : vector<16xi32> to vector<16x1xi32>
      %gather3A_119 = vector.shape_cast %broadcast_in_dim3A_118 : vector<16x1xi32> to vector<16xi32>
      %gather3A_120 = tpu.dynamic_gather %add3A_114[%gather3A_119] in [0] : vector<16xf32>, vector<16xi32> -> vector<16xf32>
      %add3A_121 = arith.addf %add3A_114, %gather3A_120 : vector<16xf32>
      %xor3A_122 = arith.constant 2 : i32
      %xor3A_123 = vector.broadcast %xor3A_122 : i32 to vector<16xi32>
      %xor3A_124 = arith.xori %iota3A, %xor3A_123 : vector<16xi32>
      %broadcast_in_dim3A_125 = vector.shape_cast %xor3A_124 : vector<16xi32> to vector<16x1xi32>
      %gather3A_126 = vector.shape_cast %broadcast_in_dim3A_125 : vector<16x1xi32> to vector<16xi32>
      %gather3A_127 = tpu.dynamic_gather %add3A_121[%gather3A_126] in [0] : vector<16xf32>, vector<16xi32> -> vector<16xf32>
      %add3A_128 = arith.addf %add3A_121, %gather3A_127 : vector<16xf32>
      %xor3A_129 = arith.constant 1 : i32
      %xor3A_130 = vector.broadcast %xor3A_129 : i32 to vector<16xi32>
      %xor3A_131 = arith.xori %iota3A, %xor3A_130 : vector<16xi32>
      %broadcast_in_dim3A_132 = vector.shape_cast %xor3A_131 : vector<16xi32> to vector<16x1xi32>
      %gather3A_133 = vector.shape_cast %broadcast_in_dim3A_132 : vector<16x1xi32> to vector<16xi32>
      %gather3A_134 = tpu.dynamic_gather %add3A_128[%gather3A_133] in [0] : vector<16xf32>, vector<16xi32> -> vector<16xf32>
      %add3A_135 = arith.addf %add3A_128, %gather3A_134 : vector<16xf32>
      %div3A = arith.constant 1.000000e+00 : f32
      %div3A_136 = vector.broadcast %div3A : f32 to vector<16xf32>
      %div3A_137 = arith.divf %div3A_136, %add3A_135 : vector<16xf32>
      %mul3A_138 = arith.mulf %exp3A, %div3A_137 : vector<16xf32>
      %swap3A = arith.index_cast %mul3A_84 : i32 to index
      %swap3A_139 = arith.constant 0 : index
      %swap3A_140 = tpu.vector_load %arg6[%swap3A, %swap3A_139] {strides = array<i32>} : memref<128x64xf32, #tpu.memory_space<vmem>>, vector<1x16xf32>,
      %swap3A_141 = vector.shape_cast %swap3A_140 : vector<1x16xf32> to vector<16xf32>
      %swap3A_142 = vector.shape_cast %mul3A_138 : vector<16xf32> to vector<1x16xf32>
      tpu.vector_store %arg6[%swap3A, %swap3A_139], %swap3A_142 {strides = array<i32>} : memref<128x64xf32, #tpu.memory_space<vmem>>, vector<1x16xf32>,
      %mul3A_143 = arith.mulf %exp3A_95, %div3A_137 : vector<16xf32>
      %swap3A_144 = arith.index_cast %mul3A_84 : i32 to index
      %swap3A_145 = arith.constant 16 : index
      %swap3A_146 = tpu.vector_load %arg6[%swap3A_144, %swap3A_145] {strides = array<i32>} : memref<128x64xf32, #tpu.memory_space<vmem>>, vector<1x16xf32>,
      %swap3A_147 = vector.shape_cast %swap3A_146 : vector<1x16xf32> to vector<16xf32>
      %swap3A_148 = vector.shape_cast %mul3A_143 : vector<16xf32> to vector<1x16xf32>
      tpu.vector_store %arg6[%swap3A_144, %swap3A_145], %swap3A_148 {strides = array<i32>} : memref<128x64xf32, #tpu.memory_space<vmem>>, vector<1x16xf32>,
      %mul3A_149 = arith.mulf %exp3A_101, %div3A_137 : vector<16xf32>
      %swap3A_150 = arith.index_cast %mul3A_84 : i32 to index
      %swap3A_151 = arith.constant 32 : index
      %swap3A_152 = tpu.vector_load %arg6[%swap3A_150, %swap3A_151] {strides = array<i32>} : memref<128x64xf32, #tpu.memory_space<vmem>>, vector<1x16xf32>,
      %swap3A_153 = vector.shape_cast %swap3A_152 : vector<1x16xf32> to vector<16xf32>
      %swap3A_154 = vector.shape_cast %mul3A_149 : vector<16xf32> to vector<1x16xf32>
      tpu.vector_store %arg6[%swap3A_150, %swap3A_151], %swap3A_154 {strides = array<i32>} : memref<128x64xf32, #tpu.memory_space<vmem>>, vector<1x16xf32>,
      %mul3A_155 = arith.mulf %exp3A_107, %div3A_137 : vector<16xf32>
      %swap3A_156 = arith.index_cast %mul3A_84 : i32 to index
      %swap3A_157 = arith.constant 48 : index
      %swap3A_158 = tpu.vector_load %arg6[%swap3A_156, %swap3A_157] {strides = array<i32>} : memref<128x64xf32, #tpu.memory_space<vmem>>, vector<1x16xf32>,
      %swap3A_159 = vector.shape_cast %swap3A_158 : vector<1x16xf32> to vector<16xf32>
      %swap3A_160 = vector.shape_cast %mul3A_155 : vector<16xf32> to vector<1x16xf32>
      tpu.vector_store %arg6[%swap3A_156, %swap3A_157], %swap3A_160 {strides = array<i32>} : memref<128x64xf32, #tpu.memory_space<vmem>>, vector<1x16xf32>,
      %add3A_161 = arith.constant 1 : i32
      %add3A_162 = arith.addi %mul3A_84, %add3A_161 : i32
      %get3A_163 = arith.index_cast %add3A_162 : i32 to index
      %get3A_164 = arith.constant 0 : index
      %get3A_165 = tpu.vector_load %arg6[%get3A_163, %get3A_164] {strides = array<i32>} : memref<128x64xf32, #tpu.memory_space<vmem>>, vector<1x16xf32>,
      %get3A_166 = vector.shape_cast %get3A_165 : vector<1x16xf32> to vector<16xf32>
      %mul3A_167 = arith.mulf %get3A_166, %get3A_4 : vector<16xf32>
      %exp3A_168 = math.exp %mul3A_167 : vector<16xf32>
      %get3A_169 = arith.index_cast %add3A_162 : i32 to index
      %get3A_170 = arith.constant 16 : index
      %get3A_171 = tpu.vector_load %arg6[%get3A_169, %get3A_170] {strides = array<i32>} : memref<128x64xf32, #tpu.memory_space<vmem>>, vector<1x16xf32>,
      %get3A_172 = vector.shape_cast %get3A_171 : vector<1x16xf32> to vector<16xf32>
      %mul3A_173 = arith.mulf %get3A_172, %get3A_4 : vector<16xf32>
      %exp3A_174 = math.exp %mul3A_173 : vector<16xf32>
      %get3A_175 = arith.index_cast %add3A_162 : i32 to index
      %get3A_176 = arith.constant 32 : index
      %get3A_177 = tpu.vector_load %arg6[%get3A_175, %get3A_176] {strides = array<i32>} : memref<128x64xf32, #tpu.memory_space<vmem>>, vector<1x16xf32>,
      %get3A_178 = vector.shape_cast %get3A_177 : vector<1x16xf32> to vector<16xf32>
      %mul3A_179 = arith.mulf %get3A_178, %get3A_4 : vector<16xf32>
      %exp3A_180 = math.exp %mul3A_179 : vector<16xf32>
      %get3A_181 = arith.index_cast %add3A_162 : i32 to index
      %get3A_182 = arith.constant 48 : index
      %get3A_183 = tpu.vector_load %arg6[%get3A_181, %get3A_182] {strides = array<i32>} : memref<128x64xf32, #tpu.memory_space<vmem>>, vector<1x16xf32>,
      %get3A_184 = vector.shape_cast %get3A_183 : vector<1x16xf32> to vector<16xf32>
      %mul3A_185 = arith.mulf %get3A_184, %get3A_4 : vector<16xf32>
      %exp3A_186 = math.exp %mul3A_185 : vector<16xf32>
      %add3A_187 = arith.addf %exp3A_168, %exp3A_174 : vector<16xf32>
      %add3A_188 = arith.addf %add3A_187, %exp3A_180 : vector<16xf32>
      %add3A_189 = arith.addf %add3A_188, %exp3A_186 : vector<16xf32>
      %iota3A_190 = tpu.iota {dimensions = array<i32: 0>} : vector<16xi32>
      %xor3A_191 = arith.constant 8 : i32
      %xor3A_192 = vector.broadcast %xor3A_191 : i32 to vector<16xi32>
      %xor3A_193 = arith.xori %iota3A_190, %xor3A_192 : vector<16xi32>
      %broadcast_in_dim3A_194 = vector.shape_cast %xor3A_193 : vector<16xi32> to vector<16x1xi32>
      %gather3A_195 = vector.shape_cast %broadcast_in_dim3A_194 : vector<16x1xi32> to vector<16xi32>
      %gather3A_196 = tpu.dynamic_gather %add3A_189[%gather3A_195] in [0] : vector<16xf32>, vector<16xi32> -> vector<16xf32>
      %add3A_197 = arith.addf %add3A_189, %gather3A_196 : vector<16xf32>
      %xor3A_198 = arith.constant 4 : i32
      %xor3A_199 = vector.broadcast %xor3A_198 : i32 to vector<16xi32>
      %xor3A_200 = arith.xori %iota3A_190, %xor3A_199 : vector<16xi32>
      %broadcast_in_dim3A_201 = vector.shape_cast %xor3A_200 : vector<16xi32> to vector<16x1xi32>
      %gather3A_202 = vector.shape_cast %broadcast_in_dim3A_201 : vector<16x1xi32> to vector<16xi32>
      %gather3A_203 = tpu.dynamic_gather %add3A_197[%gather3A_202] in [0] : vector<16xf32>, vector<16xi32> -> vector<16xf32>
      %add3A_204 = arith.addf %add3A_197, %gather3A_203 : vector<16xf32>
      %xor3A_205 = arith.constant 2 : i32
      %xor3A_206 = vector.broadcast %xor3A_205 : i32 to vector<16xi32>
      %xor3A_207 = arith.xori %iota3A_190, %xor3A_206 : vector<16xi32>
      %broadcast_in_dim3A_208 = vector.shape_cast %xor3A_207 : vector<16xi32> to vector<16x1xi32>
      %gather3A_209 = vector.shape_cast %broadcast_in_dim3A_208 : vector<16x1xi32> to vector<16xi32>
      %gather3A_210 = tpu.dynamic_gather %add3A_204[%gather3A_209] in [0] : vector<16xf32>, vector<16xi32> -> vector<16xf32>
      %add3A_211 = arith.addf %add3A_204, %gather3A_210 : vector<16xf32>
      %xor3A_212 = arith.constant 1 : i32
      %xor3A_213 = vector.broadcast %xor3A_212 : i32 to vector<16xi32>
      %xor3A_214 = arith.xori %iota3A_190, %xor3A_213 : vector<16xi32>
      %broadcast_in_dim3A_215 = vector.shape_cast %xor3A_214 : vector<16xi32> to vector<16x1xi32>
      %gather3A_216 = vector.shape_cast %broadcast_in_dim3A_215 : vector<16x1xi32> to vector<16xi32>
      %gather3A_217 = tpu.dynamic_gather %add3A_211[%gather3A_216] in [0] : vector<16xf32>, vector<16xi32> -> vector<16xf32>
      %add3A_218 = arith.addf %add3A_211, %gather3A_217 : vector<16xf32>
      %div3A_219 = arith.constant 1.000000e+00 : f32
      %div3A_220 = vector.broadcast %div3A_219 : f32 to vector<16xf32>
      %div3A_221 = arith.divf %div3A_220, %add3A_218 : vector<16xf32>
      %mul3A_222 = arith.mulf %exp3A_168, %div3A_221 : vector<16xf32>
      %swap3A_223 = arith.index_cast %add3A_162 : i32 to index
      %swap3A_224 = arith.constant 0 : index
      %swap3A_225 = tpu.vector_load %arg6[%swap3A_223, %swap3A_224] {strides = array<i32>} : memref<128x64xf32, #tpu.memory_space<vmem>>, vector<1x16xf32>,
      %swap3A_226 = vector.shape_cast %swap3A_225 : vector<1x16xf32> to vector<16xf32>
      %swap3A_227 = vector.shape_cast %mul3A_222 : vector<16xf32> to vector<1x16xf32>
      tpu.vector_store %arg6[%swap3A_223, %swap3A_224], %swap3A_227 {strides = array<i32>} : memref<128x64xf32, #tpu.memory_space<vmem>>, vector<1x16xf32>,
      %mul3A_228 = arith.mulf %exp3A_174, %div3A_221 : vector<16xf32>
      %swap3A_229 = arith.index_cast %add3A_162 : i32 to index
      %swap3A_230 = arith.constant 16 : index
      %swap3A_231 = tpu.vector_load %arg6[%swap3A_229, %swap3A_230] {strides = array<i32>} : memref<128x64xf32, #tpu.memory_space<vmem>>, vector<1x16xf32>,
      %swap3A_232 = vector.shape_cast %swap3A_231 : vector<1x16xf32> to vector<16xf32>
      %swap3A_233 = vector.shape_cast %mul3A_228 : vector<16xf32> to vector<1x16xf32>
      tpu.vector_store %arg6[%swap3A_229, %swap3A_230], %swap3A_233 {strides = array<i32>} : memref<128x64xf32, #tpu.memory_space<vmem>>, vector<1x16xf32>,
      %mul3A_234 = arith.mulf %exp3A_180, %div3A_221 : vector<16xf32>
      %swap3A_235 = arith.index_cast %add3A_162 : i32 to index
      %swap3A_236 = arith.constant 32 : index
      %swap3A_237 = tpu.vector_load %arg6[%swap3A_235, %swap3A_236] {strides = array<i32>} : memref<128x64xf32, #tpu.memory_space<vmem>>, vector<1x16xf32>,
      %swap3A_238 = vector.shape_cast %swap3A_237 : vector<1x16xf32> to vector<16xf32>
      %swap3A_239 = vector.shape_cast %mul3A_234 : vector<16xf32> to vector<1x16xf32>
      tpu.vector_store %arg6[%swap3A_235, %swap3A_236], %swap3A_239 {strides = array<i32>} : memref<128x64xf32, #tpu.memory_space<vmem>>, vector<1x16xf32>,
      %mul3A_240 = arith.mulf %exp3A_186, %div3A_221 : vector<16xf32>
      %swap3A_241 = arith.index_cast %add3A_162 : i32 to index
      %swap3A_242 = arith.constant 48 : index
      %swap3A_243 = tpu.vector_load %arg6[%swap3A_241, %swap3A_242] {strides = array<i32>} : memref<128x64xf32, #tpu.memory_space<vmem>>, vector<1x16xf32>,
      %swap3A_244 = vector.shape_cast %swap3A_243 : vector<1x16xf32> to vector<16xf32>
      %swap3A_245 = vector.shape_cast %mul3A_240 : vector<16xf32> to vector<1x16xf32>
      tpu.vector_store %arg6[%swap3A_241, %swap3A_242], %swap3A_245 {strides = array<i32>} : memref<128x64xf32, #tpu.memory_space<vmem>>, vector<1x16xf32>,
      %add3A_246 = arith.constant 2 : i32
      %add3A_247 = arith.addi %mul3A_84, %add3A_246 : i32
      %get3A_248 = arith.index_cast %add3A_247 : i32 to index
      %get3A_249 = arith.constant 0 : index
      %get3A_250 = tpu.vector_load %arg6[%get3A_248, %get3A_249] {strides = array<i32>} : memref<128x64xf32, #tpu.memory_space<vmem>>, vector<1x16xf32>,
      %get3A_251 = vector.shape_cast %get3A_250 : vector<1x16xf32> to vector<16xf32>
      %mul3A_252 = arith.mulf %get3A_251, %get3A_4 : vector<16xf32>
      %exp3A_253 = math.exp %mul3A_252 : vector<16xf32>
      %get3A_254 = arith.index_cast %add3A_247 : i32 to index
      %get3A_255 = arith.constant 16 : index
      %get3A_256 = tpu.vector_load %arg6[%get3A_254, %get3A_255] {strides = array<i32>} : memref<128x64xf32, #tpu.memory_space<vmem>>, vector<1x16xf32>,
      %get3A_257 = vector.shape_cast %get3A_256 : vector<1x16xf32> to vector<16xf32>
      %mul3A_258 = arith.mulf %get3A_257, %get3A_4 : vector<16xf32>
      %exp3A_259 = math.exp %mul3A_258 : vector<16xf32>
      %get3A_260 = arith.index_cast %add3A_247 : i32 to index
      %get3A_261 = arith.constant 32 : index
      %get3A_262 = tpu.vector_load %arg6[%get3A_260, %get3A_261] {strides = array<i32>} : memref<128x64xf32, #tpu.memory_space<vmem>>, vector<1x16xf32>,
      %get3A_263 = vector.shape_cast %get3A_262 : vector<1x16xf32> to vector<16xf32>
      %mul3A_264 = arith.mulf %get3A_263, %get3A_4 : vector<16xf32>
      %exp3A_265 = math.exp %mul3A_264 : vector<16xf32>
      %get3A_266 = arith.index_cast %add3A_247 : i32 to index
      %get3A_267 = arith.constant 48 : index
      %get3A_268 = tpu.vector_load %arg6[%get3A_266, %get3A_267] {strides = array<i32>} : memref<128x64xf32, #tpu.memory_space<vmem>>, vector<1x16xf32>,
      %get3A_269 = vector.shape_cast %get3A_268 : vector<1x16xf32> to vector<16xf32>
      %mul3A_270 = arith.mulf %get3A_269, %get3A_4 : vector<16xf32>
      %exp3A_271 = math.exp %mul3A_270 : vector<16xf32>
      %add3A_272 = arith.addf %exp3A_253, %exp3A_259 : vector<16xf32>
      %add3A_273 = arith.addf %add3A_272, %exp3A_265 : vector<16xf32>
      %add3A_274 = arith.addf %add3A_273, %exp3A_271 : vector<16xf32>
      %iota3A_275 = tpu.iota {dimensions = array<i32: 0>} : vector<16xi32>
      %xor3A_276 = arith.constant 8 : i32
      %xor3A_277 = vector.broadcast %xor3A_276 : i32 to vector<16xi32>
      %xor3A_278 = arith.xori %iota3A_275, %xor3A_277 : vector<16xi32>
      %broadcast_in_dim3A_279 = vector.shape_cast %xor3A_278 : vector<16xi32> to vector<16x1xi32>
      %gather3A_280 = vector.shape_cast %broadcast_in_dim3A_279 : vector<16x1xi32> to vector<16xi32>
      %gather3A_281 = tpu.dynamic_gather %add3A_274[%gather3A_280] in [0] : vector<16xf32>, vector<16xi32> -> vector<16xf32>
      %add3A_282 = arith.addf %add3A_274, %gather3A_281 : vector<16xf32>
      %xor3A_283 = arith.constant 4 : i32
      %xor3A_284 = vector.broadcast %xor3A_283 : i32 to vector<16xi32>
      %xor3A_285 = arith.xori %iota3A_275, %xor3A_284 : vector<16xi32>
      %broadcast_in_dim3A_286 = vector.shape_cast %xor3A_285 : vector<16xi32> to vector<16x1xi32>
      %gather3A_287 = vector.shape_cast %broadcast_in_dim3A_286 : vector<16x1xi32> to vector<16xi32>
      %gather3A_288 = tpu.dynamic_gather %add3A_282[%gather3A_287] in [0] : vector<16xf32>, vector<16xi32> -> vector<16xf32>
      %add3A_289 = arith.addf %add3A_282, %gather3A_288 : vector<16xf32>
      %xor3A_290 = arith.constant 2 : i32
      %xor3A_291 = vector.broadcast %xor3A_290 : i32 to vector<16xi32>
      %xor3A_292 = arith.xori %iota3A_275, %xor3A_291 : vector<16xi32>
      %broadcast_in_dim3A_293 = vector.shape_cast %xor3A_292 : vector<16xi32> to vector<16x1xi32>
      %gather3A_294 = vector.shape_cast %broadcast_in_dim3A_293 : vector<16x1xi32> to vector<16xi32>
      %gather3A_295 = tpu.dynamic_gather %add3A_289[%gather3A_294] in [0] : vector<16xf32>, vector<16xi32> -> vector<16xf32>
      %add3A_296 = arith.addf %add3A_289, %gather3A_295 : vector<16xf32>
      %xor3A_297 = arith.constant 1 : i32
      %xor3A_298 = vector.broadcast %xor3A_297 : i32 to vector<16xi32>
      %xor3A_299 = arith.xori %iota3A_275, %xor3A_298 : vector<16xi32>
      %broadcast_in_dim3A_300 = vector.shape_cast %xor3A_299 : vector<16xi32> to vector<16x1xi32>
      %gather3A_301 = vector.shape_cast %broadcast_in_dim3A_300 : vector<16x1xi32> to vector<16xi32>
      %gather3A_302 = tpu.dynamic_gather %add3A_296[%gather3A_301] in [0] : vector<16xf32>, vector<16xi32> -> vector<16xf32>
      %add3A_303 = arith.addf %add3A_296, %gather3A_302 : vector<16xf32>
      %div3A_304 = arith.constant 1.000000e+00 : f32
      %div3A_305 = vector.broadcast %div3A_304 : f32 to vector<16xf32>
      %div3A_306 = arith.divf %div3A_305, %add3A_303 : vector<16xf32>
      %mul3A_307 = arith.mulf %exp3A_253, %div3A_306 : vector<16xf32>
      %swap3A_308 = arith.index_cast %add3A_247 : i32 to index
      %swap3A_309 = arith.constant 0 : index
      %swap3A_310 = tpu.vector_load %arg6[%swap3A_308, %swap3A_309] {strides = array<i32>} : memref<128x64xf32, #tpu.memory_space<vmem>>, vector<1x16xf32>,
      %swap3A_311 = vector.shape_cast %swap3A_310 : vector<1x16xf32> to vector<16xf32>
      %swap3A_312 = vector.shape_cast %mul3A_307 : vector<16xf32> to vector<1x16xf32>
      tpu.vector_store %arg6[%swap3A_308, %swap3A_309], %swap3A_312 {strides = array<i32>} : memref<128x64xf32, #tpu.memory_space<vmem>>, vector<1x16xf32>,
      %mul3A_313 = arith.mulf %exp3A_259, %div3A_306 : vector<16xf32>
      %swap3A_314 = arith.index_cast %add3A_247 : i32 to index
      %swap3A_315 = arith.constant 16 : index
      %swap3A_316 = tpu.vector_load %arg6[%swap3A_314, %swap3A_315] {strides = array<i32>} : memref<128x64xf32, #tpu.memory_space<vmem>>, vector<1x16xf32>,
      %swap3A_317 = vector.shape_cast %swap3A_316 : vector<1x16xf32> to vector<16xf32>
      %swap3A_318 = vector.shape_cast %mul3A_313 : vector<16xf32> to vector<1x16xf32>
      tpu.vector_store %arg6[%swap3A_314, %swap3A_315], %swap3A_318 {strides = array<i32>} : memref<128x64xf32, #tpu.memory_space<vmem>>, vector<1x16xf32>,
      %mul3A_319 = arith.mulf %exp3A_265, %div3A_306 : vector<16xf32>
      %swap3A_320 = arith.index_cast %add3A_247 : i32 to index
      %swap3A_321 = arith.constant 32 : index
      %swap3A_322 = tpu.vector_load %arg6[%swap3A_320, %swap3A_321] {strides = array<i32>} : memref<128x64xf32, #tpu.memory_space<vmem>>, vector<1x16xf32>,
      %swap3A_323 = vector.shape_cast %swap3A_322 : vector<1x16xf32> to vector<16xf32>
      %swap3A_324 = vector.shape_cast %mul3A_319 : vector<16xf32> to vector<1x16xf32>
      tpu.vector_store %arg6[%swap3A_320, %swap3A_321], %swap3A_324 {strides = array<i32>} : memref<128x64xf32, #tpu.memory_space<vmem>>, vector<1x16xf32>,
      %mul3A_325 = arith.mulf %exp3A_271, %div3A_306 : vector<16xf32>
      %swap3A_326 = arith.index_cast %add3A_247 : i32 to index
      %swap3A_327 = arith.constant 48 : index
      %swap3A_328 = tpu.vector_load %arg6[%swap3A_326, %swap3A_327] {strides = array<i32>} : memref<128x64xf32, #tpu.memory_space<vmem>>, vector<1x16xf32>,
      %swap3A_329 = vector.shape_cast %swap3A_328 : vector<1x16xf32> to vector<16xf32>
      %swap3A_330 = vector.shape_cast %mul3A_325 : vector<16xf32> to vector<1x16xf32>
      tpu.vector_store %arg6[%swap3A_326, %swap3A_327], %swap3A_330 {strides = array<i32>} : memref<128x64xf32, #tpu.memory_space<vmem>>, vector<1x16xf32>,
      %add3A_331 = arith.constant 3 : i32
      %add3A_332 = arith.addi %mul3A_84, %add3A_331 : i32
      %get3A_333 = arith.index_cast %add3A_332 : i32 to index
      %get3A_334 = arith.constant 0 : index
      %get3A_335 = tpu.vector_load %arg6[%get3A_333, %get3A_334] {strides = array<i32>} : memref<128x64xf32, #tpu.memory_space<vmem>>, vector<1x16xf32>,
      %get3A_336 = vector.shape_cast %get3A_335 : vector<1x16xf32> to vector<16xf32>
      %mul3A_337 = arith.mulf %get3A_336, %get3A_4 : vector<16xf32>
      %exp3A_338 = math.exp %mul3A_337 : vector<16xf32>
      %get3A_339 = arith.index_cast %add3A_332 : i32 to index
      %get3A_340 = arith.constant 16 : index
      %get3A_341 = tpu.vector_load %arg6[%get3A_339, %get3A_340] {strides = array<i32>} : memref<128x64xf32, #tpu.memory_space<vmem>>, vector<1x16xf32>,
      %get3A_342 = vector.shape_cast %get3A_341 : vector<1x16xf32> to vector<16xf32>
      %mul3A_343 = arith.mulf %get3A_342, %get3A_4 : vector<16xf32>
      %exp3A_344 = math.exp %mul3A_343 : vector<16xf32>
      %get3A_345 = arith.index_cast %add3A_332 : i32 to index
      %get3A_346 = arith.constant 32 : index
      %get3A_347 = tpu.vector_load %arg6[%get3A_345, %get3A_346] {strides = array<i32>} : memref<128x64xf32, #tpu.memory_space<vmem>>, vector<1x16xf32>,
      %get3A_348 = vector.shape_cast %get3A_347 : vector<1x16xf32> to vector<16xf32>
      %mul3A_349 = arith.mulf %get3A_348, %get3A_4 : vector<16xf32>
      %exp3A_350 = math.exp %mul3A_349 : vector<16xf32>
      %get3A_351 = arith.index_cast %add3A_332 : i32 to index
      %get3A_352 = arith.constant 48 : index
      %get3A_353 = tpu.vector_load %arg6[%get3A_351, %get3A_352] {strides = array<i32>} : memref<128x64xf32, #tpu.memory_space<vmem>>, vector<1x16xf32>,
      %get3A_354 = vector.shape_cast %get3A_353 : vector<1x16xf32> to vector<16xf32>
      %mul3A_355 = arith.mulf %get3A_354, %get3A_4 : vector<16xf32>
      %exp3A_356 = math.exp %mul3A_355 : vector<16xf32>
      %add3A_357 = arith.addf %exp3A_338, %exp3A_344 : vector<16xf32>
      %add3A_358 = arith.addf %add3A_357, %exp3A_350 : vector<16xf32>
      %add3A_359 = arith.addf %add3A_358, %exp3A_356 : vector<16xf32>
      %iota3A_360 = tpu.iota {dimensions = array<i32: 0>} : vector<16xi32>
      %xor3A_361 = arith.constant 8 : i32
      %xor3A_362 = vector.broadcast %xor3A_361 : i32 to vector<16xi32>
      %xor3A_363 = arith.xori %iota3A_360, %xor3A_362 : vector<16xi32>
      %broadcast_in_dim3A_364 = vector.shape_cast %xor3A_363 : vector<16xi32> to vector<16x1xi32>
      %gather3A_365 = vector.shape_cast %broadcast_in_dim3A_364 : vector<16x1xi32> to vector<16xi32>
      %gather3A_366 = tpu.dynamic_gather %add3A_359[%gather3A_365] in [0] : vector<16xf32>, vector<16xi32> -> vector<16xf32>
      %add3A_367 = arith.addf %add3A_359, %gather3A_366 : vector<16xf32>
      %xor3A_368 = arith.constant 4 : i32
      %xor3A_369 = vector.broadcast %xor3A_368 : i32 to vector<16xi32>
      %xor3A_370 = arith.xori %iota3A_360, %xor3A_369 : vector<16xi32>
      %broadcast_in_dim3A_371 = vector.shape_cast %xor3A_370 : vector<16xi32> to vector<16x1xi32>
      %gather3A_372 = vector.shape_cast %broadcast_in_dim3A_371 : vector<16x1xi32> to vector<16xi32>
      %gather3A_373 = tpu.dynamic_gather %add3A_367[%gather3A_372] in [0] : vector<16xf32>, vector<16xi32> -> vector<16xf32>
      %add3A_374 = arith.addf %add3A_367, %gather3A_373 : vector<16xf32>
      %xor3A_375 = arith.constant 2 : i32
      %xor3A_376 = vector.broadcast %xor3A_375 : i32 to vector<16xi32>
      %xor3A_377 = arith.xori %iota3A_360, %xor3A_376 : vector<16xi32>
      %broadcast_in_dim3A_378 = vector.shape_cast %xor3A_377 : vector<16xi32> to vector<16x1xi32>
      %gather3A_379 = vector.shape_cast %broadcast_in_dim3A_378 : vector<16x1xi32> to vector<16xi32>
      %gather3A_380 = tpu.dynamic_gather %add3A_374[%gather3A_379] in [0] : vector<16xf32>, vector<16xi32> -> vector<16xf32>
      %add3A_381 = arith.addf %add3A_374, %gather3A_380 : vector<16xf32>
      %xor3A_382 = arith.constant 1 : i32
      %xor3A_383 = vector.broadcast %xor3A_382 : i32 to vector<16xi32>
      %xor3A_384 = arith.xori %iota3A_360, %xor3A_383 : vector<16xi32>
      %broadcast_in_dim3A_385 = vector.shape_cast %xor3A_384 : vector<16xi32> to vector<16x1xi32>
      %gather3A_386 = vector.shape_cast %broadcast_in_dim3A_385 : vector<16x1xi32> to vector<16xi32>
      %gather3A_387 = tpu.dynamic_gather %add3A_381[%gather3A_386] in [0] : vector<16xf32>, vector<16xi32> -> vector<16xf32>
      %add3A_388 = arith.addf %add3A_381, %gather3A_387 : vector<16xf32>
      %div3A_389 = arith.constant 1.000000e+00 : f32
      %div3A_390 = vector.broadcast %div3A_389 : f32 to vector<16xf32>
      %div3A_391 = arith.divf %div3A_390, %add3A_388 : vector<16xf32>
      %mul3A_392 = arith.mulf %exp3A_338, %div3A_391 : vector<16xf32>
      %swap3A_393 = arith.index_cast %add3A_332 : i32 to index
      %swap3A_394 = arith.constant 0 : index
      %swap3A_395 = tpu.vector_load %arg6[%swap3A_393, %swap3A_394] {strides = array<i32>} : memref<128x64xf32, #tpu.memory_space<vmem>>, vector<1x16xf32>,
      %swap3A_396 = vector.shape_cast %swap3A_395 : vector<1x16xf32> to vector<16xf32>
      %swap3A_397 = vector.shape_cast %mul3A_392 : vector<16xf32> to vector<1x16xf32>
      tpu.vector_store %arg6[%swap3A_393, %swap3A_394], %swap3A_397 {strides = array<i32>} : memref<128x64xf32, #tpu.memory_space<vmem>>, vector<1x16xf32>,
      %mul3A_398 = arith.mulf %exp3A_344, %div3A_391 : vector<16xf32>
      %swap3A_399 = arith.index_cast %add3A_332 : i32 to index
      %swap3A_400 = arith.constant 16 : index
      %swap3A_401 = tpu.vector_load %arg6[%swap3A_399, %swap3A_400] {strides = array<i32>} : memref<128x64xf32, #tpu.memory_space<vmem>>, vector<1x16xf32>,
      %swap3A_402 = vector.shape_cast %swap3A_401 : vector<1x16xf32> to vector<16xf32>
      %swap3A_403 = vector.shape_cast %mul3A_398 : vector<16xf32> to vector<1x16xf32>
      tpu.vector_store %arg6[%swap3A_399, %swap3A_400], %swap3A_403 {strides = array<i32>} : memref<128x64xf32, #tpu.memory_space<vmem>>, vector<1x16xf32>,
      %mul3A_404 = arith.mulf %exp3A_350, %div3A_391 : vector<16xf32>
      %swap3A_405 = arith.index_cast %add3A_332 : i32 to index
      %swap3A_406 = arith.constant 32 : index
      %swap3A_407 = tpu.vector_load %arg6[%swap3A_405, %swap3A_406] {strides = array<i32>} : memref<128x64xf32, #tpu.memory_space<vmem>>, vector<1x16xf32>,
      %swap3A_408 = vector.shape_cast %swap3A_407 : vector<1x16xf32> to vector<16xf32>
      %swap3A_409 = vector.shape_cast %mul3A_404 : vector<16xf32> to vector<1x16xf32>
      tpu.vector_store %arg6[%swap3A_405, %swap3A_406], %swap3A_409 {strides = array<i32>} : memref<128x64xf32, #tpu.memory_space<vmem>>, vector<1x16xf32>,
      %mul3A_410 = arith.mulf %exp3A_356, %div3A_391 : vector<16xf32>
      %swap3A_411 = arith.index_cast %add3A_332 : i32 to index
      %swap3A_412 = arith.constant 48 : index
      %swap3A_413 = tpu.vector_load %arg6[%swap3A_411, %swap3A_412] {strides = array<i32>} : memref<128x64xf32, #tpu.memory_space<vmem>>, vector<1x16xf32>,
      %swap3A_414 = vector.shape_cast %swap3A_413 : vector<1x16xf32> to vector<16xf32>
      %swap3A_415 = vector.shape_cast %mul3A_410 : vector<16xf32> to vector<1x16xf32>
      tpu.vector_store %arg6[%swap3A_411, %swap3A_412], %swap3A_415 {strides = array<i32>} : memref<128x64xf32, #tpu.memory_space<vmem>>, vector<1x16xf32>,
    }
    %scan3A_40 = arith.constant 32 : i32
    %add3A_41 = arith.constant 0 : i32
    %add3A_42 = arith.addi %mul3A_2, %add3A_41 : i32
    %dma_start3A_43 = arith.constant 0 : i32
    %dma_start3A_44 = tpu.memref_slice %arg4[%add3A_42, %dma_start3A_43] : memref<8192x64xf32, #tpu.memory_space<hbm>> -> memref<128x64xf32, #tpu.memory_space<hbm>>
    %dma_start3A_45 = arith.constant 0 : i32
    %dma_start3A_46 = tpu.memref_slice %arg4[%add3A_42, %dma_start3A_45] : memref<8192x64xf32, #tpu.memory_space<hbm>> -> memref<128x64xf32, #tpu.memory_space<hbm>>
    tpu.enqueue_dma source(%arg6 : memref<128x64xf32, #tpu.memory_space<vmem>>) target(%dma_start3A_46 : memref<128x64xf32, #tpu.memory_space<hbm>>) target_semaphore(%arg10 : memref<!tpu.dma_semaphore, #tpu.memory_space<semaphore_mem>>)
    %add3A_47 = arith.constant 24576 : i32
    %add3A_48 = arith.addi %add3A_47, %mul3A_2 : i32
    %add3A_49 = arith.constant 128 : i32
    %add3A_50 = arith.addi %add3A_48, %add3A_49 : i32
    %dma_wait3A_51 = arith.constant 0 : i32
    %dma_wait3A_52 = arith.constant 0 : i32
    %dma_wait3A_53 = tpu.memref_slice %arg3[%dma_wait3A_51, %add3A_50, %dma_wait3A_52] : memref<1x32768x64xf32, #tpu.memory_space<hbm>> -> memref<1x128x64xf32, #tpu.memory_space<hbm>>
    %dma_wait3A_54 = tpu.memref_squeeze %dma_wait3A_53 : memref<1x128x64xf32, #tpu.memory_space<hbm>> -> memref<128x64xf32, #tpu.memory_space<hbm>>
    %dma_wait3A_55 = arith.constant 0 : i32
    %dma_wait3A_56 = tpu.memref_slice %arg3[%dma_wait3A_51, %add3A_50, %dma_wait3A_55] : memref<1x32768x64xf32, #tpu.memory_space<hbm>> -> memref<1x128x64xf32, #tpu.memory_space<hbm>>
    %dma_wait3A_57 = tpu.memref_squeeze %dma_wait3A_56 : memref<1x128x64xf32, #tpu.memory_space<hbm>> -> memref<128x64xf32, #tpu.memory_space<hbm>>
    tpu.wait_dma2 semaphore(%arg9 : memref<!tpu.dma_semaphore, #tpu.memory_space<semaphore_mem>>) src(%dma_wait3A_57 : memref<128x64xf32, #tpu.memory_space<hbm>>) dst(%arg7 : memref<128x64xf32, #tpu.memory_space<vmem>>)
    %scan3A_58 = arith.constant 0 : i32
    %scan3A_59 = arith.constant 0 : i32
    %scan3A_60 = arith.constant 32 : i32
    %scan3A_61 = arith.addi %scan3A_59, %scan3A_60 : i32
    %scan3A_62 = arith.constant 1 : i32
    scf.for %scan3A_82 = %scan3A_59 to %scan3A_61 step %scan3A_62  : i32 {
      %mul3A_83 = arith.constant 4 : i32
      %mul3A_84 = arith.muli %scan3A_82, %mul3A_83 : i32
      %get3A_85 = arith.index_cast %mul3A_84 : i32 to index
      %get3A_86 = arith.constant 0 : index
      %get3A_87 = tpu.vector_load %arg7[%get3A_85, %get3A_86] {strides = array<i32>} : memref<128x64xf32, #tpu.memory_space<vmem>>, vector<1x16xf32>,
      %get3A_88 = vector.shape_cast %get3A_87 : vector<1x16xf32> to vector<16xf32>
      %mul3A_89 = arith.mulf %get3A_88, %get3A_4 : vector<16xf32>
      %exp3A = math.exp %mul3A_89 : vector<16xf32>
      %get3A_90 = arith.index_cast %mul3A_84 : i32 to index
      %get3A_91 = arith.constant 16 : index
      %get3A_92 = tpu.vector_load %arg7[%get3A_90, %get3A_91] {strides = array<i32>} : memref<128x64xf32, #tpu.memory_space<vmem>>, vector<1x16xf32>,
      %get3A_93 = vector.shape_cast %get3A_92 : vector<1x16xf32> to vector<16xf32>
      %mul3A_94 = arith.mulf %get3A_93, %get3A_4 : vector<16xf32>
      %exp3A_95 = math.exp %mul3A_94 : vector<16xf32>
      %get3A_96 = arith.index_cast %mul3A_84 : i32 to index
      %get3A_97 = arith.constant 32 : index
      %get3A_98 = tpu.vector_load %arg7[%get3A_96, %get3A_97] {strides = array<i32>} : memref<128x64xf32, #tpu.memory_space<vmem>>, vector<1x16xf32>,
      %get3A_99 = vector.shape_cast %get3A_98 : vector<1x16xf32> to vector<16xf32>
      %mul3A_100 = arith.mulf %get3A_99, %get3A_4 : vector<16xf32>
      %exp3A_101 = math.exp %mul3A_100 : vector<16xf32>
      %get3A_102 = arith.index_cast %mul3A_84 : i32 to index
      %get3A_103 = arith.constant 48 : index
      %get3A_104 = tpu.vector_load %arg7[%get3A_102, %get3A_103] {strides = array<i32>} : memref<128x64xf32, #tpu.memory_space<vmem>>, vector<1x16xf32>,
      %get3A_105 = vector.shape_cast %get3A_104 : vector<1x16xf32> to vector<16xf32>
      %mul3A_106 = arith.mulf %get3A_105, %get3A_4 : vector<16xf32>
      %exp3A_107 = math.exp %mul3A_106 : vector<16xf32>
      %add3A_108 = arith.addf %exp3A, %exp3A_95 : vector<16xf32>
      %add3A_109 = arith.addf %add3A_108, %exp3A_101 : vector<16xf32>
      %add3A_110 = arith.addf %add3A_109, %exp3A_107 : vector<16xf32>
      %iota3A = tpu.iota {dimensions = array<i32: 0>} : vector<16xi32>
      %xor3A = arith.constant 8 : i32
      %xor3A_111 = vector.broadcast %xor3A : i32 to vector<16xi32>
      %xor3A_112 = arith.xori %iota3A, %xor3A_111 : vector<16xi32>
      %broadcast_in_dim3A = vector.shape_cast %xor3A_112 : vector<16xi32> to vector<16x1xi32>
      %gather3A = vector.shape_cast %broadcast_in_dim3A : vector<16x1xi32> to vector<16xi32>
      %gather3A_113 = tpu.dynamic_gather %add3A_110[%gather3A] in [0] : vector<16xf32>, vector<16xi32> -> vector<16xf32>
      %add3A_114 = arith.addf %add3A_110, %gather3A_113 : vector<16xf32>
      %xor3A_115 = arith.constant 4 : i32
      %xor3A_116 = vector.broadcast %xor3A_115 : i32 to vector<16xi32>
      %xor3A_117 = arith.xori %iota3A, %xor3A_116 : vector<16xi32>
      %broadcast_in_dim3A_118 = vector.shape_cast %xor3A_117 : vector<16xi32> to vector<16x1xi32>
      %gather3A_119 = vector.shape_cast %broadcast_in_dim3A_118 : vector<16x1xi32> to vector<16xi32>
      %gather3A_120 = tpu.dynamic_gather %add3A_114[%gather3A_119] in [0] : vector<16xf32>, vector<16xi32> -> vector<16xf32>
      %add3A_121 = arith.addf %add3A_114, %gather3A_120 : vector<16xf32>
      %xor3A_122 = arith.constant 2 : i32
      %xor3A_123 = vector.broadcast %xor3A_122 : i32 to vector<16xi32>
      %xor3A_124 = arith.xori %iota3A, %xor3A_123 : vector<16xi32>
      %broadcast_in_dim3A_125 = vector.shape_cast %xor3A_124 : vector<16xi32> to vector<16x1xi32>
      %gather3A_126 = vector.shape_cast %broadcast_in_dim3A_125 : vector<16x1xi32> to vector<16xi32>
      %gather3A_127 = tpu.dynamic_gather %add3A_121[%gather3A_126] in [0] : vector<16xf32>, vector<16xi32> -> vector<16xf32>
      %add3A_128 = arith.addf %add3A_121, %gather3A_127 : vector<16xf32>
      %xor3A_129 = arith.constant 1 : i32
      %xor3A_130 = vector.broadcast %xor3A_129 : i32 to vector<16xi32>
      %xor3A_131 = arith.xori %iota3A, %xor3A_130 : vector<16xi32>
      %broadcast_in_dim3A_132 = vector.shape_cast %xor3A_131 : vector<16xi32> to vector<16x1xi32>
      %gather3A_133 = vector.shape_cast %broadcast_in_dim3A_132 : vector<16x1xi32> to vector<16xi32>
      %gather3A_134 = tpu.dynamic_gather %add3A_128[%gather3A_133] in [0] : vector<16xf32>, vector<16xi32> -> vector<16xf32>
      %add3A_135 = arith.addf %add3A_128, %gather3A_134 : vector<16xf32>
      %div3A = arith.constant 1.000000e+00 : f32
      %div3A_136 = vector.broadcast %div3A : f32 to vector<16xf32>
      %div3A_137 = arith.divf %div3A_136, %add3A_135 : vector<16xf32>
      %mul3A_138 = arith.mulf %exp3A, %div3A_137 : vector<16xf32>
      %swap3A = arith.index_cast %mul3A_84 : i32 to index
      %swap3A_139 = arith.constant 0 : index
      %swap3A_140 = tpu.vector_load %arg7[%swap3A, %swap3A_139] {strides = array<i32>} : memref<128x64xf32, #tpu.memory_space<vmem>>, vector<1x16xf32>,
      %swap3A_141 = vector.shape_cast %swap3A_140 : vector<1x16xf32> to vector<16xf32>
      %swap3A_142 = vector.shape_cast %mul3A_138 : vector<16xf32> to vector<1x16xf32>
      tpu.vector_store %arg7[%swap3A, %swap3A_139], %swap3A_142 {strides = array<i32>} : memref<128x64xf32, #tpu.memory_space<vmem>>, vector<1x16xf32>,
      %mul3A_143 = arith.mulf %exp3A_95, %div3A_137 : vector<16xf32>
      %swap3A_144 = arith.index_cast %mul3A_84 : i32 to index
      %swap3A_145 = arith.constant 16 : index
      %swap3A_146 = tpu.vector_load %arg7[%swap3A_144, %swap3A_145] {strides = array<i32>} : memref<128x64xf32, #tpu.memory_space<vmem>>, vector<1x16xf32>,
      %swap3A_147 = vector.shape_cast %swap3A_146 : vector<1x16xf32> to vector<16xf32>
      %swap3A_148 = vector.shape_cast %mul3A_143 : vector<16xf32> to vector<1x16xf32>
      tpu.vector_store %arg7[%swap3A_144, %swap3A_145], %swap3A_148 {strides = array<i32>} : memref<128x64xf32, #tpu.memory_space<vmem>>, vector<1x16xf32>,
      %mul3A_149 = arith.mulf %exp3A_101, %div3A_137 : vector<16xf32>
      %swap3A_150 = arith.index_cast %mul3A_84 : i32 to index
      %swap3A_151 = arith.constant 32 : index
      %swap3A_152 = tpu.vector_load %arg7[%swap3A_150, %swap3A_151] {strides = array<i32>} : memref<128x64xf32, #tpu.memory_space<vmem>>, vector<1x16xf32>,
      %swap3A_153 = vector.shape_cast %swap3A_152 : vector<1x16xf32> to vector<16xf32>
      %swap3A_154 = vector.shape_cast %mul3A_149 : vector<16xf32> to vector<1x16xf32>
      tpu.vector_store %arg7[%swap3A_150, %swap3A_151], %swap3A_154 {strides = array<i32>} : memref<128x64xf32, #tpu.memory_space<vmem>>, vector<1x16xf32>,
      %mul3A_155 = arith.mulf %exp3A_107, %div3A_137 : vector<16xf32>
      %swap3A_156 = arith.index_cast %mul3A_84 : i32 to index
      %swap3A_157 = arith.constant 48 : index
      %swap3A_158 = tpu.vector_load %arg7[%swap3A_156, %swap3A_157] {strides = array<i32>} : memref<128x64xf32, #tpu.memory_space<vmem>>, vector<1x16xf32>,
      %swap3A_159 = vector.shape_cast %swap3A_158 : vector<1x16xf32> to vector<16xf32>
      %swap3A_160 = vector.shape_cast %mul3A_155 : vector<16xf32> to vector<1x16xf32>
      tpu.vector_store %arg7[%swap3A_156, %swap3A_157], %swap3A_160 {strides = array<i32>} : memref<128x64xf32, #tpu.memory_space<vmem>>, vector<1x16xf32>,
      %add3A_161 = arith.constant 1 : i32
      %add3A_162 = arith.addi %mul3A_84, %add3A_161 : i32
      %get3A_163 = arith.index_cast %add3A_162 : i32 to index
      %get3A_164 = arith.constant 0 : index
      %get3A_165 = tpu.vector_load %arg7[%get3A_163, %get3A_164] {strides = array<i32>} : memref<128x64xf32, #tpu.memory_space<vmem>>, vector<1x16xf32>,
      %get3A_166 = vector.shape_cast %get3A_165 : vector<1x16xf32> to vector<16xf32>
      %mul3A_167 = arith.mulf %get3A_166, %get3A_4 : vector<16xf32>
      %exp3A_168 = math.exp %mul3A_167 : vector<16xf32>
      %get3A_169 = arith.index_cast %add3A_162 : i32 to index
      %get3A_170 = arith.constant 16 : index
      %get3A_171 = tpu.vector_load %arg7[%get3A_169, %get3A_170] {strides = array<i32>} : memref<128x64xf32, #tpu.memory_space<vmem>>, vector<1x16xf32>,
      %get3A_172 = vector.shape_cast %get3A_171 : vector<1x16xf32> to vector<16xf32>
      %mul3A_173 = arith.mulf %get3A_172, %get3A_4 : vector<16xf32>
      %exp3A_174 = math.exp %mul3A_173 : vector<16xf32>
      %get3A_175 = arith.index_cast %add3A_162 : i32 to index
      %get3A_176 = arith.constant 32 : index
      %get3A_177 = tpu.vector_load %arg7[%get3A_175, %get3A_176] {strides = array<i32>} : memref<128x64xf32, #tpu.memory_space<vmem>>, vector<1x16xf32>,
      %get3A_178 = vector.shape_cast %get3A_177 : vector<1x16xf32> to vector<16xf32>
      %mul3A_179 = arith.mulf %get3A_178, %get3A_4 : vector<16xf32>
      %exp3A_180 = math.exp %mul3A_179 : vector<16xf32>
      %get3A_181 = arith.index_cast %add3A_162 : i32 to index
      %get3A_182 = arith.constant 48 : index
      %get3A_183 = tpu.vector_load %arg7[%get3A_181, %get3A_182] {strides = array<i32>} : memref<128x64xf32, #tpu.memory_space<vmem>>, vector<1x16xf32>,
      %get3A_184 = vector.shape_cast %get3A_183 : vector<1x16xf32> to vector<16xf32>
      %mul3A_185 = arith.mulf %get3A_184, %get3A_4 : vector<16xf32>
      %exp3A_186 = math.exp %mul3A_185 : vector<16xf32>
      %add3A_187 = arith.addf %exp3A_168, %exp3A_174 : vector<16xf32>
      %add3A_188 = arith.addf %add3A_187, %exp3A_180 : vector<16xf32>
      %add3A_189 = arith.addf %add3A_188, %exp3A_186 : vector<16xf32>
      %iota3A_190 = tpu.iota {dimensions = array<i32: 0>} : vector<16xi32>
      %xor3A_191 = arith.constant 8 : i32
      %xor3A_192 = vector.broadcast %xor3A_191 : i32 to vector<16xi32>
      %xor3A_193 = arith.xori %iota3A_190, %xor3A_192 : vector<16xi32>
      %broadcast_in_dim3A_194 = vector.shape_cast %xor3A_193 : vector<16xi32> to vector<16x1xi32>
      %gather3A_195 = vector.shape_cast %broadcast_in_dim3A_194 : vector<16x1xi32> to vector<16xi32>
      %gather3A_196 = tpu.dynamic_gather %add3A_189[%gather3A_195] in [0] : vector<16xf32>, vector<16xi32> -> vector<16xf32>
      %add3A_197 = arith.addf %add3A_189, %gather3A_196 : vector<16xf32>
      %xor3A_198 = arith.constant 4 : i32
      %xor3A_199 = vector.broadcast %xor3A_198 : i32 to vector<16xi32>
      %xor3A_200 = arith.xori %iota3A_190, %xor3A_199 : vector<16xi32>
      %broadcast_in_dim3A_201 = vector.shape_cast %xor3A_200 : vector<16xi32> to vector<16x1xi32>
      %gather3A_202 = vector.shape_cast %broadcast_in_dim3A_201 : vector<16x1xi32> to vector<16xi32>
      %gather3A_203 = tpu.dynamic_gather %add3A_197[%gather3A_202] in [0] : vector<16xf32>, vector<16xi32> -> vector<16xf32>
      %add3A_204 = arith.addf %add3A_197, %gather3A_203 : vector<16xf32>
      %xor3A_205 = arith.constant 2 : i32
      %xor3A_206 = vector.broadcast %xor3A_205 : i32 to vector<16xi32>
      %xor3A_207 = arith.xori %iota3A_190, %xor3A_206 : vector<16xi32>
      %broadcast_in_dim3A_208 = vector.shape_cast %xor3A_207 : vector<16xi32> to vector<16x1xi32>
      %gather3A_209 = vector.shape_cast %broadcast_in_dim3A_208 : vector<16x1xi32> to vector<16xi32>
      %gather3A_210 = tpu.dynamic_gather %add3A_204[%gather3A_209] in [0] : vector<16xf32>, vector<16xi32> -> vector<16xf32>
      %add3A_211 = arith.addf %add3A_204, %gather3A_210 : vector<16xf32>
      %xor3A_212 = arith.constant 1 : i32
      %xor3A_213 = vector.broadcast %xor3A_212 : i32 to vector<16xi32>
      %xor3A_214 = arith.xori %iota3A_190, %xor3A_213 : vector<16xi32>
      %broadcast_in_dim3A_215 = vector.shape_cast %xor3A_214 : vector<16xi32> to vector<16x1xi32>
      %gather3A_216 = vector.shape_cast %broadcast_in_dim3A_215 : vector<16x1xi32> to vector<16xi32>
      %gather3A_217 = tpu.dynamic_gather %add3A_211[%gather3A_216] in [0] : vector<16xf32>, vector<16xi32> -> vector<16xf32>
      %add3A_218 = arith.addf %add3A_211, %gather3A_217 : vector<16xf32>
      %div3A_219 = arith.constant 1.000000e+00 : f32
      %div3A_220 = vector.broadcast %div3A_219 : f32 to vector<16xf32>
      %div3A_221 = arith.divf %div3A_220, %add3A_218 : vector<16xf32>
      %mul3A_222 = arith.mulf %exp3A_168, %div3A_221 : vector<16xf32>
      %swap3A_223 = arith.index_cast %add3A_162 : i32 to index
      %swap3A_224 = arith.constant 0 : index
      %swap3A_225 = tpu.vector_load %arg7[%swap3A_223, %swap3A_224] {strides = array<i32>} : memref<128x64xf32, #tpu.memory_space<vmem>>, vector<1x16xf32>,
      %swap3A_226 = vector.shape_cast %swap3A_225 : vector<1x16xf32> to vector<16xf32>
      %swap3A_227 = vector.shape_cast %mul3A_222 : vector<16xf32> to vector<1x16xf32>
      tpu.vector_store %arg7[%swap3A_223, %swap3A_224], %swap3A_227 {strides = array<i32>} : memref<128x64xf32, #tpu.memory_space<vmem>>, vector<1x16xf32>,
      %mul3A_228 = arith.mulf %exp3A_174, %div3A_221 : vector<16xf32>
      %swap3A_229 = arith.index_cast %add3A_162 : i32 to index
      %swap3A_230 = arith.constant 16 : index
      %swap3A_231 = tpu.vector_load %arg7[%swap3A_229, %swap3A_230] {strides = array<i32>} : memref<128x64xf32, #tpu.memory_space<vmem>>, vector<1x16xf32>,
      %swap3A_232 = vector.shape_cast %swap3A_231 : vector<1x16xf32> to vector<16xf32>
      %swap3A_233 = vector.shape_cast %mul3A_228 : vector<16xf32> to vector<1x16xf32>
      tpu.vector_store %arg7[%swap3A_229, %swap3A_230], %swap3A_233 {strides = array<i32>} : memref<128x64xf32, #tpu.memory_space<vmem>>, vector<1x16xf32>,
      %mul3A_234 = arith.mulf %exp3A_180, %div3A_221 : vector<16xf32>
      %swap3A_235 = arith.index_cast %add3A_162 : i32 to index
      %swap3A_236 = arith.constant 32 : index
      %swap3A_237 = tpu.vector_load %arg7[%swap3A_235, %swap3A_236] {strides = array<i32>} : memref<128x64xf32, #tpu.memory_space<vmem>>, vector<1x16xf32>,
      %swap3A_238 = vector.shape_cast %swap3A_237 : vector<1x16xf32> to vector<16xf32>
      %swap3A_239 = vector.shape_cast %mul3A_234 : vector<16xf32> to vector<1x16xf32>
      tpu.vector_store %arg7[%swap3A_235, %swap3A_236], %swap3A_239 {strides = array<i32>} : memref<128x64xf32, #tpu.memory_space<vmem>>, vector<1x16xf32>,
      %mul3A_240 = arith.mulf %exp3A_186, %div3A_221 : vector<16xf32>
      %swap3A_241 = arith.index_cast %add3A_162 : i32 to index
      %swap3A_242 = arith.constant 48 : index
      %swap3A_243 = tpu.vector_load %arg7[%swap3A_241, %swap3A_242] {strides = array<i32>} : memref<128x64xf32, #tpu.memory_space<vmem>>, vector<1x16xf32>,
      %swap3A_244 = vector.shape_cast %swap3A_243 : vector<1x16xf32> to vector<16xf32>
      %swap3A_245 = vector.shape_cast %mul3A_240 : vector<16xf32> to vector<1x16xf32>
      tpu.vector_store %arg7[%swap3A_241, %swap3A_242], %swap3A_245 {strides = array<i32>} : memref<128x64xf32, #tpu.memory_space<vmem>>, vector<1x16xf32>,
      %add3A_246 = arith.constant 2 : i32
      %add3A_247 = arith.addi %mul3A_84, %add3A_246 : i32
      %get3A_248 = arith.index_cast %add3A_247 : i32 to index
      %get3A_249 = arith.constant 0 : index
      %get3A_250 = tpu.vector_load %arg7[%get3A_248, %get3A_249] {strides = array<i32>} : memref<128x64xf32, #tpu.memory_space<vmem>>, vector<1x16xf32>,
      %get3A_251 = vector.shape_cast %get3A_250 : vector<1x16xf32> to vector<16xf32>
      %mul3A_252 = arith.mulf %get3A_251, %get3A_4 : vector<16xf32>
      %exp3A_253 = math.exp %mul3A_252 : vector<16xf32>
      %get3A_254 = arith.index_cast %add3A_247 : i32 to index
      %get3A_255 = arith.constant 16 : index
      %get3A_256 = tpu.vector_load %arg7[%get3A_254, %get3A_255] {strides = array<i32>} : memref<128x64xf32, #tpu.memory_space<vmem>>, vector<1x16xf32>,
      %get3A_257 = vector.shape_cast %get3A_256 : vector<1x16xf32> to vector<16xf32>
      %mul3A_258 = arith.mulf %get3A_257, %get3A_4 : vector<16xf32>
      %exp3A_259 = math.exp %mul3A_258 : vector<16xf32>
      %get3A_260 = arith.index_cast %add3A_247 : i32 to index
      %get3A_261 = arith.constant 32 : index
      %get3A_262 = tpu.vector_load %arg7[%get3A_260, %get3A_261] {strides = array<i32>} : memref<128x64xf32, #tpu.memory_space<vmem>>, vector<1x16xf32>,
      %get3A_263 = vector.shape_cast %get3A_262 : vector<1x16xf32> to vector<16xf32>
      %mul3A_264 = arith.mulf %get3A_263, %get3A_4 : vector<16xf32>
      %exp3A_265 = math.exp %mul3A_264 : vector<16xf32>
      %get3A_266 = arith.index_cast %add3A_247 : i32 to index
      %get3A_267 = arith.constant 48 : index
      %get3A_268 = tpu.vector_load %arg7[%get3A_266, %get3A_267] {strides = array<i32>} : memref<128x64xf32, #tpu.memory_space<vmem>>, vector<1x16xf32>,
      %get3A_269 = vector.shape_cast %get3A_268 : vector<1x16xf32> to vector<16xf32>
      %mul3A_270 = arith.mulf %get3A_269, %get3A_4 : vector<16xf32>
      %exp3A_271 = math.exp %mul3A_270 : vector<16xf32>
      %add3A_272 = arith.addf %exp3A_253, %exp3A_259 : vector<16xf32>
      %add3A_273 = arith.addf %add3A_272, %exp3A_265 : vector<16xf32>
      %add3A_274 = arith.addf %add3A_273, %exp3A_271 : vector<16xf32>
      %iota3A_275 = tpu.iota {dimensions = array<i32: 0>} : vector<16xi32>
      %xor3A_276 = arith.constant 8 : i32
      %xor3A_277 = vector.broadcast %xor3A_276 : i32 to vector<16xi32>
      %xor3A_278 = arith.xori %iota3A_275, %xor3A_277 : vector<16xi32>
      %broadcast_in_dim3A_279 = vector.shape_cast %xor3A_278 : vector<16xi32> to vector<16x1xi32>
      %gather3A_280 = vector.shape_cast %broadcast_in_dim3A_279 : vector<16x1xi32> to vector<16xi32>
      %gather3A_281 = tpu.dynamic_gather %add3A_274[%gather3A_280] in [0] : vector<16xf32>, vector<16xi32> -> vector<16xf32>
      %add3A_282 = arith.addf %add3A_274, %gather3A_281 : vector<16xf32>
      %xor3A_283 = arith.constant 4 : i32
      %xor3A_284 = vector.broadcast %xor3A_283 : i32 to vector<16xi32>
      %xor3A_285 = arith.xori %iota3A_275, %xor3A_284 : vector<16xi32>
      %broadcast_in_dim3A_286 = vector.shape_cast %xor3A_285 : vector<16xi32> to vector<16x1xi32>
      %gather3A_287 = vector.shape_cast %broadcast_in_dim3A_286 : vector<16x1xi32> to vector<16xi32>
      %gather3A_288 = tpu.dynamic_gather %add3A_282[%gather3A_287] in [0] : vector<16xf32>, vector<16xi32> -> vector<16xf32>
      %add3A_289 = arith.addf %add3A_282, %gather3A_288 : vector<16xf32>
      %xor3A_290 = arith.constant 2 : i32
      %xor3A_291 = vector.broadcast %xor3A_290 : i32 to vector<16xi32>
      %xor3A_292 = arith.xori %iota3A_275, %xor3A_291 : vector<16xi32>
      %broadcast_in_dim3A_293 = vector.shape_cast %xor3A_292 : vector<16xi32> to vector<16x1xi32>
      %gather3A_294 = vector.shape_cast %broadcast_in_dim3A_293 : vector<16x1xi32> to vector<16xi32>
      %gather3A_295 = tpu.dynamic_gather %add3A_289[%gather3A_294] in [0] : vector<16xf32>, vector<16xi32> -> vector<16xf32>
      %add3A_296 = arith.addf %add3A_289, %gather3A_295 : vector<16xf32>
      %xor3A_297 = arith.constant 1 : i32
      %xor3A_298 = vector.broadcast %xor3A_297 : i32 to vector<16xi32>
      %xor3A_299 = arith.xori %iota3A_275, %xor3A_298 : vector<16xi32>
      %broadcast_in_dim3A_300 = vector.shape_cast %xor3A_299 : vector<16xi32> to vector<16x1xi32>
      %gather3A_301 = vector.shape_cast %broadcast_in_dim3A_300 : vector<16x1xi32> to vector<16xi32>
      %gather3A_302 = tpu.dynamic_gather %add3A_296[%gather3A_301] in [0] : vector<16xf32>, vector<16xi32> -> vector<16xf32>
      %add3A_303 = arith.addf %add3A_296, %gather3A_302 : vector<16xf32>
      %div3A_304 = arith.constant 1.000000e+00 : f32
      %div3A_305 = vector.broadcast %div3A_304 : f32 to vector<16xf32>
      %div3A_306 = arith.divf %div3A_305, %add3A_303 : vector<16xf32>
      %mul3A_307 = arith.mulf %exp3A_253, %div3A_306 : vector<16xf32>
      %swap3A_308 = arith.index_cast %add3A_247 : i32 to index
      %swap3A_309 = arith.constant 0 : index
      %swap3A_310 = tpu.vector_load %arg7[%swap3A_308, %swap3A_309] {strides = array<i32>} : memref<128x64xf32, #tpu.memory_space<vmem>>, vector<1x16xf32>,
      %swap3A_311 = vector.shape_cast %swap3A_310 : vector<1x16xf32> to vector<16xf32>
      %swap3A_312 = vector.shape_cast %mul3A_307 : vector<16xf32> to vector<1x16xf32>
      tpu.vector_store %arg7[%swap3A_308, %swap3A_309], %swap3A_312 {strides = array<i32>} : memref<128x64xf32, #tpu.memory_space<vmem>>, vector<1x16xf32>,
      %mul3A_313 = arith.mulf %exp3A_259, %div3A_306 : vector<16xf32>
      %swap3A_314 = arith.index_cast %add3A_247 : i32 to index
      %swap3A_315 = arith.constant 16 : index
      %swap3A_316 = tpu.vector_load %arg7[%swap3A_314, %swap3A_315] {strides = array<i32>} : memref<128x64xf32, #tpu.memory_space<vmem>>, vector<1x16xf32>,
      %swap3A_317 = vector.shape_cast %swap3A_316 : vector<1x16xf32> to vector<16xf32>
      %swap3A_318 = vector.shape_cast %mul3A_313 : vector<16xf32> to vector<1x16xf32>
      tpu.vector_store %arg7[%swap3A_314, %swap3A_315], %swap3A_318 {strides = array<i32>} : memref<128x64xf32, #tpu.memory_space<vmem>>, vector<1x16xf32>,
      %mul3A_319 = arith.mulf %exp3A_265, %div3A_306 : vector<16xf32>
      %swap3A_320 = arith.index_cast %add3A_247 : i32 to index
      %swap3A_321 = arith.constant 32 : index
      %swap3A_322 = tpu.vector_load %arg7[%swap3A_320, %swap3A_321] {strides = array<i32>} : memref<128x64xf32, #tpu.memory_space<vmem>>, vector<1x16xf32>,
      %swap3A_323 = vector.shape_cast %swap3A_322 : vector<1x16xf32> to vector<16xf32>
      %swap3A_324 = vector.shape_cast %mul3A_319 : vector<16xf32> to vector<1x16xf32>
      tpu.vector_store %arg7[%swap3A_320, %swap3A_321], %swap3A_324 {strides = array<i32>} : memref<128x64xf32, #tpu.memory_space<vmem>>, vector<1x16xf32>,
      %mul3A_325 = arith.mulf %exp3A_271, %div3A_306 : vector<16xf32>
      %swap3A_326 = arith.index_cast %add3A_247 : i32 to index
      %swap3A_327 = arith.constant 48 : index
      %swap3A_328 = tpu.vector_load %arg7[%swap3A_326, %swap3A_327] {strides = array<i32>} : memref<128x64xf32, #tpu.memory_space<vmem>>, vector<1x16xf32>,
      %swap3A_329 = vector.shape_cast %swap3A_328 : vector<1x16xf32> to vector<16xf32>
      %swap3A_330 = vector.shape_cast %mul3A_325 : vector<16xf32> to vector<1x16xf32>
      tpu.vector_store %arg7[%swap3A_326, %swap3A_327], %swap3A_330 {strides = array<i32>} : memref<128x64xf32, #tpu.memory_space<vmem>>, vector<1x16xf32>,
      %add3A_331 = arith.constant 3 : i32
      %add3A_332 = arith.addi %mul3A_84, %add3A_331 : i32
      %get3A_333 = arith.index_cast %add3A_332 : i32 to index
      %get3A_334 = arith.constant 0 : index
      %get3A_335 = tpu.vector_load %arg7[%get3A_333, %get3A_334] {strides = array<i32>} : memref<128x64xf32, #tpu.memory_space<vmem>>, vector<1x16xf32>,
      %get3A_336 = vector.shape_cast %get3A_335 : vector<1x16xf32> to vector<16xf32>
      %mul3A_337 = arith.mulf %get3A_336, %get3A_4 : vector<16xf32>
      %exp3A_338 = math.exp %mul3A_337 : vector<16xf32>
      %get3A_339 = arith.index_cast %add3A_332 : i32 to index
      %get3A_340 = arith.constant 16 : index
      %get3A_341 = tpu.vector_load %arg7[%get3A_339, %get3A_340] {strides = array<i32>} : memref<128x64xf32, #tpu.memory_space<vmem>>, vector<1x16xf32>,
      %get3A_342 = vector.shape_cast %get3A_341 : vector<1x16xf32> to vector<16xf32>
      %mul3A_343 = arith.mulf %get3A_342, %get3A_4 : vector<16xf32>
      %exp3A_344 = math.exp %mul3A_343 : vector<16xf32>
      %get3A_345 = arith.index_cast %add3A_332 : i32 to index
      %get3A_346 = arith.constant 32 : index
      %get3A_347 = tpu.vector_load %arg7[%get3A_345, %get3A_346] {strides = array<i32>} : memref<128x64xf32, #tpu.memory_space<vmem>>, vector<1x16xf32>,
      %get3A_348 = vector.shape_cast %get3A_347 : vector<1x16xf32> to vector<16xf32>
      %mul3A_349 = arith.mulf %get3A_348, %get3A_4 : vector<16xf32>
      %exp3A_350 = math.exp %mul3A_349 : vector<16xf32>
      %get3A_351 = arith.index_cast %add3A_332 : i32 to index
      %get3A_352 = arith.constant 48 : index
      %get3A_353 = tpu.vector_load %arg7[%get3A_351, %get3A_352] {strides = array<i32>} : memref<128x64xf32, #tpu.memory_space<vmem>>, vector<1x16xf32>,
      %get3A_354 = vector.shape_cast %get3A_353 : vector<1x16xf32> to vector<16xf32>
      %mul3A_355 = arith.mulf %get3A_354, %get3A_4 : vector<16xf32>
      %exp3A_356 = math.exp %mul3A_355 : vector<16xf32>
      %add3A_357 = arith.addf %exp3A_338, %exp3A_344 : vector<16xf32>
      %add3A_358 = arith.addf %add3A_357, %exp3A_350 : vector<16xf32>
      %add3A_359 = arith.addf %add3A_358, %exp3A_356 : vector<16xf32>
      %iota3A_360 = tpu.iota {dimensions = array<i32: 0>} : vector<16xi32>
      %xor3A_361 = arith.constant 8 : i32
      %xor3A_362 = vector.broadcast %xor3A_361 : i32 to vector<16xi32>
      %xor3A_363 = arith.xori %iota3A_360, %xor3A_362 : vector<16xi32>
      %broadcast_in_dim3A_364 = vector.shape_cast %xor3A_363 : vector<16xi32> to vector<16x1xi32>
      %gather3A_365 = vector.shape_cast %broadcast_in_dim3A_364 : vector<16x1xi32> to vector<16xi32>
      %gather3A_366 = tpu.dynamic_gather %add3A_359[%gather3A_365] in [0] : vector<16xf32>, vector<16xi32> -> vector<16xf32>
      %add3A_367 = arith.addf %add3A_359, %gather3A_366 : vector<16xf32>
      %xor3A_368 = arith.constant 4 : i32
      %xor3A_369 = vector.broadcast %xor3A_368 : i32 to vector<16xi32>
      %xor3A_370 = arith.xori %iota3A_360, %xor3A_369 : vector<16xi32>
      %broadcast_in_dim3A_371 = vector.shape_cast %xor3A_370 : vector<16xi32> to vector<16x1xi32>
      %gather3A_372 = vector.shape_cast %broadcast_in_dim3A_371 : vector<16x1xi32> to vector<16xi32>
      %gather3A_373 = tpu.dynamic_gather %add3A_367[%gather3A_372] in [0] : vector<16xf32>, vector<16xi32> -> vector<16xf32>
      %add3A_374 = arith.addf %add3A_367, %gather3A_373 : vector<16xf32>
      %xor3A_375 = arith.constant 2 : i32
      %xor3A_376 = vector.broadcast %xor3A_375 : i32 to vector<16xi32>
      %xor3A_377 = arith.xori %iota3A_360, %xor3A_376 : vector<16xi32>
      %broadcast_in_dim3A_378 = vector.shape_cast %xor3A_377 : vector<16xi32> to vector<16x1xi32>
      %gather3A_379 = vector.shape_cast %broadcast_in_dim3A_378 : vector<16x1xi32> to vector<16xi32>
      %gather3A_380 = tpu.dynamic_gather %add3A_374[%gather3A_379] in [0] : vector<16xf32>, vector<16xi32> -> vector<16xf32>
      %add3A_381 = arith.addf %add3A_374, %gather3A_380 : vector<16xf32>
      %xor3A_382 = arith.constant 1 : i32
      %xor3A_383 = vector.broadcast %xor3A_382 : i32 to vector<16xi32>
      %xor3A_384 = arith.xori %iota3A_360, %xor3A_383 : vector<16xi32>
      %broadcast_in_dim3A_385 = vector.shape_cast %xor3A_384 : vector<16xi32> to vector<16x1xi32>
      %gather3A_386 = vector.shape_cast %broadcast_in_dim3A_385 : vector<16x1xi32> to vector<16xi32>
      %gather3A_387 = tpu.dynamic_gather %add3A_381[%gather3A_386] in [0] : vector<16xf32>, vector<16xi32> -> vector<16xf32>
      %add3A_388 = arith.addf %add3A_381, %gather3A_387 : vector<16xf32>
      %div3A_389 = arith.constant 1.000000e+00 : f32
      %div3A_390 = vector.broadcast %div3A_389 : f32 to vector<16xf32>
      %div3A_391 = arith.divf %div3A_390, %add3A_388 : vector<16xf32>
      %mul3A_392 = arith.mulf %exp3A_338, %div3A_391 : vector<16xf32>
      %swap3A_393 = arith.index_cast %add3A_332 : i32 to index
      %swap3A_394 = arith.constant 0 : index
      %swap3A_395 = tpu.vector_load %arg7[%swap3A_393, %swap3A_394] {strides = array<i32>} : memref<128x64xf32, #tpu.memory_space<vmem>>, vector<1x16xf32>,
      %swap3A_396 = vector.shape_cast %swap3A_395 : vector<1x16xf32> to vector<16xf32>
      %swap3A_397 = vector.shape_cast %mul3A_392 : vector<16xf32> to vector<1x16xf32>
      tpu.vector_store %arg7[%swap3A_393, %swap3A_394], %swap3A_397 {strides = array<i32>} : memref<128x64xf32, #tpu.memory_space<vmem>>, vector<1x16xf32>,
      %mul3A_398 = arith.mulf %exp3A_344, %div3A_391 : vector<16xf32>
      %swap3A_399 = arith.index_cast %add3A_332 : i32 to index
      %swap3A_400 = arith.constant 16 : index
      %swap3A_401 = tpu.vector_load %arg7[%swap3A_399, %swap3A_400] {strides = array<i32>} : memref<128x64xf32, #tpu.memory_space<vmem>>, vector<1x16xf32>,
      %swap3A_402 = vector.shape_cast %swap3A_401 : vector<1x16xf32> to vector<16xf32>
      %swap3A_403 = vector.shape_cast %mul3A_398 : vector<16xf32> to vector<1x16xf32>
      tpu.vector_store %arg7[%swap3A_399, %swap3A_400], %swap3A_403 {strides = array<i32>} : memref<128x64xf32, #tpu.memory_space<vmem>>, vector<1x16xf32>,
      %mul3A_404 = arith.mulf %exp3A_350, %div3A_391 : vector<16xf32>
      %swap3A_405 = arith.index_cast %add3A_332 : i32 to index
      %swap3A_406 = arith.constant 32 : index
      %swap3A_407 = tpu.vector_load %arg7[%swap3A_405, %swap3A_406] {strides = array<i32>} : memref<128x64xf32, #tpu.memory_space<vmem>>, vector<1x16xf32>,
      %swap3A_408 = vector.shape_cast %swap3A_407 : vector<1x16xf32> to vector<16xf32>
      %swap3A_409 = vector.shape_cast %mul3A_404 : vector<16xf32> to vector<1x16xf32>
      tpu.vector_store %arg7[%swap3A_405, %swap3A_406], %swap3A_409 {strides = array<i32>} : memref<128x64xf32, #tpu.memory_space<vmem>>, vector<1x16xf32>,
      %mul3A_410 = arith.mulf %exp3A_356, %div3A_391 : vector<16xf32>
      %swap3A_411 = arith.index_cast %add3A_332 : i32 to index
      %swap3A_412 = arith.constant 48 : index
      %swap3A_413 = tpu.vector_load %arg7[%swap3A_411, %swap3A_412] {strides = array<i32>} : memref<128x64xf32, #tpu.memory_space<vmem>>, vector<1x16xf32>,
      %swap3A_414 = vector.shape_cast %swap3A_413 : vector<1x16xf32> to vector<16xf32>
      %swap3A_415 = vector.shape_cast %mul3A_410 : vector<16xf32> to vector<1x16xf32>
      tpu.vector_store %arg7[%swap3A_411, %swap3A_412], %swap3A_415 {strides = array<i32>} : memref<128x64xf32, #tpu.memory_space<vmem>>, vector<1x16xf32>,
    }
    %scan3A_63 = arith.constant 32 : i32
    %add3A_64 = arith.constant 128 : i32
    %add3A_65 = arith.addi %mul3A_2, %add3A_64 : i32
    %dma_start3A_66 = arith.constant 0 : i32
    %dma_start3A_67 = tpu.memref_slice %arg4[%add3A_65, %dma_start3A_66] : memref<8192x64xf32, #tpu.memory_space<hbm>> -> memref<128x64xf32, #tpu.memory_space<hbm>>
    %dma_start3A_68 = arith.constant 0 : i32
    %dma_start3A_69 = tpu.memref_slice %arg4[%add3A_65, %dma_start3A_68] : memref<8192x64xf32, #tpu.memory_space<hbm>> -> memref<128x64xf32, #tpu.memory_space<hbm>>
    tpu.enqueue_dma source(%arg7 : memref<128x64xf32, #tpu.memory_space<vmem>>) target(%dma_start3A_69 : memref<128x64xf32, #tpu.memory_space<hbm>>) target_semaphore(%arg11 : memref<!tpu.dma_semaphore, #tpu.memory_space<semaphore_mem>>)
    %add3A_70 = arith.constant 0 : i32
    %add3A_71 = arith.addi %mul3A_2, %add3A_70 : i32
    %dma_wait3A_72 = arith.constant 0 : i32
    %dma_wait3A_73 = tpu.memref_slice %arg4[%add3A_71, %dma_wait3A_72] : memref<8192x64xf32, #tpu.memory_space<hbm>> -> memref<128x64xf32, #tpu.memory_space<hbm>>
    %dma_wait3A_74 = arith.constant 0 : i32
    %dma_wait3A_75 = tpu.memref_slice %arg4[%add3A_71, %dma_wait3A_74] : memref<8192x64xf32, #tpu.memory_space<hbm>> -> memref<128x64xf32, #tpu.memory_space<hbm>>
    tpu.wait_dma2 semaphore(%arg10 : memref<!tpu.dma_semaphore, #tpu.memory_space<semaphore_mem>>) src(%arg6 : memref<128x64xf32, #tpu.memory_space<vmem>>) dst(%dma_wait3A_75 : memref<128x64xf32, #tpu.memory_space<hbm>>)
    %add3A_76 = arith.constant 128 : i32
    %add3A_77 = arith.addi %mul3A_2, %add3A_76 : i32
    %dma_wait3A_78 = arith.constant 0 : i32
    %dma_wait3A_79 = tpu.memref_slice %arg4[%add3A_77, %dma_wait3A_78] : memref<8192x64xf32, #tpu.memory_space<hbm>> -> memref<128x64xf32, #tpu.memory_space<hbm>>
    %dma_wait3A_80 = arith.constant 0 : i32
    %dma_wait3A_81 = tpu.memref_slice %arg4[%add3A_77, %dma_wait3A_80] : memref<8192x64xf32, #tpu.memory_space<hbm>> -> memref<128x64xf32, #tpu.memory_space<hbm>>
    tpu.wait_dma2 semaphore(%arg11 : memref<!tpu.dma_semaphore, #tpu.memory_space<semaphore_mem>>) src(%arg7 : memref<128x64xf32, #tpu.memory_space<vmem>>) dst(%dma_wait3A_81 : memref<128x64xf32, #tpu.memory_space<hbm>>)
    return
  }
}

module attributes {stable_mosaic.version = 14 : i64} {
  func.func @_tc_body(%arg0: memref<1xf32, #tpu.memory_space<smem>>, %arg1: memref<1x32768x64xf32, #tpu.memory_space<any>>, %arg2: memref<32768x64xf32, #tpu.memory_space<any>>, %arg3: memref<4x2048x64xf32, #tpu.memory_space<vmem>>, %arg4: memref<4x2048x64xf32, #tpu.memory_space<vmem>>, %arg5: memref<4x!tpu.dma_semaphore, #tpu.memory_space<semaphore_mem>>, %arg6: memref<4x!tpu.dma_semaphore, #tpu.memory_space<semaphore_mem>>) attributes {dimension_semantics = [], scalar_prefetch = 0 : i64, scratch_operands = 4 : i64, tpu.core_type = #tpu.core_type<tc>} {
    %get3A = arith.constant 0 : index
    %get3A_0 = memref.load %arg0[%get3A] : memref<1xf32, #tpu.memory_space<smem>>
    %dma_start3A = arith.constant 0 : i32
    %dma_start3A_1 = arith.constant 0 : i32
    %dma_start3A_2 = arith.constant 0 : i32
    %dma_start3A_3 = tpu.memref_slice %arg5[%dma_start3A_2] : memref<4x!tpu.dma_semaphore, #tpu.memory_space<semaphore_mem>> -> memref<1x!tpu.dma_semaphore, #tpu.memory_space<semaphore_mem>>
    %dma_start3A_4 = tpu.memref_squeeze %dma_start3A_3 : memref<1x!tpu.dma_semaphore, #tpu.memory_space<semaphore_mem>> -> memref<!tpu.dma_semaphore, #tpu.memory_space<semaphore_mem>>
    %dma_start3A_5 = arith.constant 0 : i32
    %dma_start3A_6 = arith.constant 0 : i32
    %dma_start3A_7 = tpu.memref_slice %arg3[%dma_start3A_1, %dma_start3A_5, %dma_start3A_6] : memref<4x2048x64xf32, #tpu.memory_space<vmem>> -> memref<1x2048x64xf32, #tpu.memory_space<vmem>>
    %dma_start3A_8 = tpu.memref_squeeze %dma_start3A_7 : memref<1x2048x64xf32, #tpu.memory_space<vmem>> -> memref<2048x64xf32, #tpu.memory_space<vmem>>
    %dma_start3A_9 = arith.constant 0 : i32
    %dma_start3A_10 = arith.constant 0 : i32
    %dma_start3A_11 = tpu.memref_slice %arg1[%dma_start3A, %dma_start3A_9, %dma_start3A_10] : memref<1x32768x64xf32, #tpu.memory_space<any>> -> memref<1x2048x64xf32, #tpu.memory_space<any>>
    %dma_start3A_12 = tpu.memref_squeeze %dma_start3A_11 : memref<1x2048x64xf32, #tpu.memory_space<any>> -> memref<2048x64xf32, #tpu.memory_space<any>>
    tpu.enqueue_dma source(%dma_start3A_12 : memref<2048x64xf32, #tpu.memory_space<any>>) target(%dma_start3A_8 : memref<2048x64xf32, #tpu.memory_space<vmem>>) target_semaphore(%dma_start3A_4 : memref<!tpu.dma_semaphore, #tpu.memory_space<semaphore_mem>>)
    %dma_start3A_13 = arith.constant 0 : i32
    %dma_start3A_14 = arith.constant 1 : i32
    %dma_start3A_15 = arith.constant 1 : i32
    %dma_start3A_16 = tpu.memref_slice %arg5[%dma_start3A_15] : memref<4x!tpu.dma_semaphore, #tpu.memory_space<semaphore_mem>> -> memref<1x!tpu.dma_semaphore, #tpu.memory_space<semaphore_mem>>
    %dma_start3A_17 = tpu.memref_squeeze %dma_start3A_16 : memref<1x!tpu.dma_semaphore, #tpu.memory_space<semaphore_mem>> -> memref<!tpu.dma_semaphore, #tpu.memory_space<semaphore_mem>>
    %dma_start3A_18 = arith.constant 0 : i32
    %dma_start3A_19 = arith.constant 0 : i32
    %dma_start3A_20 = tpu.memref_slice %arg3[%dma_start3A_14, %dma_start3A_18, %dma_start3A_19] : memref<4x2048x64xf32, #tpu.memory_space<vmem>> -> memref<1x2048x64xf32, #tpu.memory_space<vmem>>
    %dma_start3A_21 = tpu.memref_squeeze %dma_start3A_20 : memref<1x2048x64xf32, #tpu.memory_space<vmem>> -> memref<2048x64xf32, #tpu.memory_space<vmem>>
    %dma_start3A_22 = arith.constant 2048 : i32
    %dma_start3A_23 = arith.constant 0 : i32
    %dma_start3A_24 = tpu.memref_slice %arg1[%dma_start3A_13, %dma_start3A_22, %dma_start3A_23] : memref<1x32768x64xf32, #tpu.memory_space<any>> -> memref<1x2048x64xf32, #tpu.memory_space<any>>
    %dma_start3A_25 = tpu.memref_squeeze %dma_start3A_24 : memref<1x2048x64xf32, #tpu.memory_space<any>> -> memref<2048x64xf32, #tpu.memory_space<any>>
    tpu.enqueue_dma source(%dma_start3A_25 : memref<2048x64xf32, #tpu.memory_space<any>>) target(%dma_start3A_21 : memref<2048x64xf32, #tpu.memory_space<vmem>>) target_semaphore(%dma_start3A_17 : memref<!tpu.dma_semaphore, #tpu.memory_space<semaphore_mem>>)
    %dma_start3A_26 = arith.constant 0 : i32
    %dma_start3A_27 = arith.constant 2 : i32
    %dma_start3A_28 = arith.constant 2 : i32
    %dma_start3A_29 = tpu.memref_slice %arg5[%dma_start3A_28] : memref<4x!tpu.dma_semaphore, #tpu.memory_space<semaphore_mem>> -> memref<1x!tpu.dma_semaphore, #tpu.memory_space<semaphore_mem>>
    %dma_start3A_30 = tpu.memref_squeeze %dma_start3A_29 : memref<1x!tpu.dma_semaphore, #tpu.memory_space<semaphore_mem>> -> memref<!tpu.dma_semaphore, #tpu.memory_space<semaphore_mem>>
    %dma_start3A_31 = arith.constant 0 : i32
    %dma_start3A_32 = arith.constant 0 : i32
    %dma_start3A_33 = tpu.memref_slice %arg3[%dma_start3A_27, %dma_start3A_31, %dma_start3A_32] : memref<4x2048x64xf32, #tpu.memory_space<vmem>> -> memref<1x2048x64xf32, #tpu.memory_space<vmem>>
    %dma_start3A_34 = tpu.memref_squeeze %dma_start3A_33 : memref<1x2048x64xf32, #tpu.memory_space<vmem>> -> memref<2048x64xf32, #tpu.memory_space<vmem>>
    %dma_start3A_35 = arith.constant 4096 : i32
    %dma_start3A_36 = arith.constant 0 : i32
    %dma_start3A_37 = tpu.memref_slice %arg1[%dma_start3A_26, %dma_start3A_35, %dma_start3A_36] : memref<1x32768x64xf32, #tpu.memory_space<any>> -> memref<1x2048x64xf32, #tpu.memory_space<any>>
    %dma_start3A_38 = tpu.memref_squeeze %dma_start3A_37 : memref<1x2048x64xf32, #tpu.memory_space<any>> -> memref<2048x64xf32, #tpu.memory_space<any>>
    tpu.enqueue_dma source(%dma_start3A_38 : memref<2048x64xf32, #tpu.memory_space<any>>) target(%dma_start3A_34 : memref<2048x64xf32, #tpu.memory_space<vmem>>) target_semaphore(%dma_start3A_30 : memref<!tpu.dma_semaphore, #tpu.memory_space<semaphore_mem>>)
    %dma_start3A_39 = arith.constant 0 : i32
    %dma_start3A_40 = arith.constant 3 : i32
    %dma_start3A_41 = arith.constant 3 : i32
    %dma_start3A_42 = tpu.memref_slice %arg5[%dma_start3A_41] : memref<4x!tpu.dma_semaphore, #tpu.memory_space<semaphore_mem>> -> memref<1x!tpu.dma_semaphore, #tpu.memory_space<semaphore_mem>>
    %dma_start3A_43 = tpu.memref_squeeze %dma_start3A_42 : memref<1x!tpu.dma_semaphore, #tpu.memory_space<semaphore_mem>> -> memref<!tpu.dma_semaphore, #tpu.memory_space<semaphore_mem>>
    %dma_start3A_44 = arith.constant 0 : i32
    %dma_start3A_45 = arith.constant 0 : i32
    %dma_start3A_46 = tpu.memref_slice %arg3[%dma_start3A_40, %dma_start3A_44, %dma_start3A_45] : memref<4x2048x64xf32, #tpu.memory_space<vmem>> -> memref<1x2048x64xf32, #tpu.memory_space<vmem>>
    %dma_start3A_47 = tpu.memref_squeeze %dma_start3A_46 : memref<1x2048x64xf32, #tpu.memory_space<vmem>> -> memref<2048x64xf32, #tpu.memory_space<vmem>>
    %dma_start3A_48 = arith.constant 6144 : i32
    %dma_start3A_49 = arith.constant 0 : i32
    %dma_start3A_50 = tpu.memref_slice %arg1[%dma_start3A_39, %dma_start3A_48, %dma_start3A_49] : memref<1x32768x64xf32, #tpu.memory_space<any>> -> memref<1x2048x64xf32, #tpu.memory_space<any>>
    %dma_start3A_51 = tpu.memref_squeeze %dma_start3A_50 : memref<1x2048x64xf32, #tpu.memory_space<any>> -> memref<2048x64xf32, #tpu.memory_space<any>>
    tpu.enqueue_dma source(%dma_start3A_51 : memref<2048x64xf32, #tpu.memory_space<any>>) target(%dma_start3A_47 : memref<2048x64xf32, #tpu.memory_space<vmem>>) target_semaphore(%dma_start3A_43 : memref<!tpu.dma_semaphore, #tpu.memory_space<semaphore_mem>>)
    %dma_wait3A = arith.constant 0 : i32
    %dma_wait3A_52 = arith.constant 0 : i32
    %dma_wait3A_53 = arith.constant 0 : i32
    %dma_wait3A_54 = tpu.memref_slice %arg5[%dma_wait3A_53] : memref<4x!tpu.dma_semaphore, #tpu.memory_space<semaphore_mem>> -> memref<1x!tpu.dma_semaphore, #tpu.memory_space<semaphore_mem>>
    %dma_wait3A_55 = tpu.memref_squeeze %dma_wait3A_54 : memref<1x!tpu.dma_semaphore, #tpu.memory_space<semaphore_mem>> -> memref<!tpu.dma_semaphore, #tpu.memory_space<semaphore_mem>>
    %dma_wait3A_56 = arith.constant 0 : i32
    %dma_wait3A_57 = arith.constant 0 : i32
    %dma_wait3A_58 = tpu.memref_slice %arg3[%dma_wait3A_52, %dma_wait3A_56, %dma_wait3A_57] : memref<4x2048x64xf32, #tpu.memory_space<vmem>> -> memref<1x2048x64xf32, #tpu.memory_space<vmem>>
    %dma_wait3A_59 = tpu.memref_squeeze %dma_wait3A_58 : memref<1x2048x64xf32, #tpu.memory_space<vmem>> -> memref<2048x64xf32, #tpu.memory_space<vmem>>
    %dma_wait3A_60 = arith.constant 0 : i32
    %dma_wait3A_61 = arith.constant 0 : i32
    %dma_wait3A_62 = tpu.memref_slice %arg1[%dma_wait3A, %dma_wait3A_60, %dma_wait3A_61] : memref<1x32768x64xf32, #tpu.memory_space<any>> -> memref<1x2048x64xf32, #tpu.memory_space<any>>
    %dma_wait3A_63 = tpu.memref_squeeze %dma_wait3A_62 : memref<1x2048x64xf32, #tpu.memory_space<any>> -> memref<2048x64xf32, #tpu.memory_space<any>>
    tpu.wait_dma2 semaphore(%dma_wait3A_55 : memref<!tpu.dma_semaphore, #tpu.memory_space<semaphore_mem>>) src(%dma_wait3A_63 : memref<2048x64xf32, #tpu.memory_space<any>>) dst(%dma_wait3A_59 : memref<2048x64xf32, #tpu.memory_space<vmem>>)
    %get3A_64 = arith.constant 0 : index
    %get3A_65 = arith.constant 0 : index
    %get3A_66 = arith.constant 0 : index
    %get3A_67 = vector.load %arg3[%get3A_64, %get3A_65, %get3A_66] : memref<4x2048x64xf32, #tpu.memory_space<vmem>>, vector<1x2048x64xf32>
    %get3A_68 = vector.shape_cast %get3A_67 : vector<1x2048x64xf32> to vector<2048x64xf32>
    %mul3A = vector.broadcast %get3A_0 : f32 to vector<2048x64xf32>
    %mul3A_69 = arith.mulf %get3A_68, %mul3A : vector<2048x64xf32>
    %exp3A = math.exp %mul3A_69 : vector<2048x64xf32>
    %reduce_sum3A = arith.constant dense<0.000000e+00> : vector<2048xf32>
    %reduce_sum3A_70 = vector.multi_reduction <add>, %exp3A, %reduce_sum3A [1] : vector<2048x64xf32> to vector<2048xf32>
    %broadcast_in_dim3A = vector.shape_cast %reduce_sum3A_70 : vector<2048xf32> to vector<2048x1xf32>
    %div3A = vector.broadcast %broadcast_in_dim3A : vector<2048x1xf32> to vector<2048x64xf32>
    %div3A_71 = arith.divf %exp3A, %div3A : vector<2048x64xf32>
    %swap3A = arith.constant 0 : index
    %swap3A_72 = arith.constant 0 : index
    %swap3A_73 = arith.constant 0 : index
    %swap3A_74 = vector.load %arg4[%swap3A, %swap3A_72, %swap3A_73] : memref<4x2048x64xf32, #tpu.memory_space<vmem>>, vector<1x2048x64xf32>
    %swap3A_75 = vector.shape_cast %swap3A_74 : vector<1x2048x64xf32> to vector<2048x64xf32>
    %swap3A_76 = vector.shape_cast %div3A_71 : vector<2048x64xf32> to vector<1x2048x64xf32>
    tpu.vector_store %arg4[%swap3A, %swap3A_72, %swap3A_73], %swap3A_76 {strides = array<i32>} : memref<4x2048x64xf32, #tpu.memory_space<vmem>>, vector<1x2048x64xf32>,
    %dma_start3A_77 = arith.constant 0 : i32
    %dma_start3A_78 = arith.constant 0 : i32
    %dma_start3A_79 = tpu.memref_slice %arg6[%dma_start3A_78] : memref<4x!tpu.dma_semaphore, #tpu.memory_space<semaphore_mem>> -> memref<1x!tpu.dma_semaphore, #tpu.memory_space<semaphore_mem>>
    %dma_start3A_80 = tpu.memref_squeeze %dma_start3A_79 : memref<1x!tpu.dma_semaphore, #tpu.memory_space<semaphore_mem>> -> memref<!tpu.dma_semaphore, #tpu.memory_space<semaphore_mem>>
    %dma_start3A_81 = arith.constant 0 : i32
    %dma_start3A_82 = arith.constant 0 : i32
    %dma_start3A_83 = tpu.memref_slice %arg2[%dma_start3A_81, %dma_start3A_82] : memref<32768x64xf32, #tpu.memory_space<any>> -> memref<2048x64xf32, #tpu.memory_space<any>>
    %dma_start3A_84 = arith.constant 0 : i32
    %dma_start3A_85 = arith.constant 0 : i32
    %dma_start3A_86 = tpu.memref_slice %arg4[%dma_start3A_77, %dma_start3A_84, %dma_start3A_85] : memref<4x2048x64xf32, #tpu.memory_space<vmem>> -> memref<1x2048x64xf32, #tpu.memory_space<vmem>>
    %dma_start3A_87 = tpu.memref_squeeze %dma_start3A_86 : memref<1x2048x64xf32, #tpu.memory_space<vmem>> -> memref<2048x64xf32, #tpu.memory_space<vmem>>
    tpu.enqueue_dma source(%dma_start3A_87 : memref<2048x64xf32, #tpu.memory_space<vmem>>) target(%dma_start3A_83 : memref<2048x64xf32, #tpu.memory_space<any>>) target_semaphore(%dma_start3A_80 : memref<!tpu.dma_semaphore, #tpu.memory_space<semaphore_mem>>)
    %dma_start3A_88 = arith.constant 0 : i32
    %dma_start3A_89 = arith.constant 0 : i32
    %dma_start3A_90 = arith.constant 0 : i32
    %dma_start3A_91 = tpu.memref_slice %arg5[%dma_start3A_90] : memref<4x!tpu.dma_semaphore, #tpu.memory_space<semaphore_mem>> -> memref<1x!tpu.dma_semaphore, #tpu.memory_space<semaphore_mem>>
    %dma_start3A_92 = tpu.memref_squeeze %dma_start3A_91 : memref<1x!tpu.dma_semaphore, #tpu.memory_space<semaphore_mem>> -> memref<!tpu.dma_semaphore, #tpu.memory_space<semaphore_mem>>
    %dma_start3A_93 = arith.constant 0 : i32
    %dma_start3A_94 = arith.constant 0 : i32
    %dma_start3A_95 = tpu.memref_slice %arg3[%dma_start3A_89, %dma_start3A_93, %dma_start3A_94] : memref<4x2048x64xf32, #tpu.memory_space<vmem>> -> memref<1x2048x64xf32, #tpu.memory_space<vmem>>
    %dma_start3A_96 = tpu.memref_squeeze %dma_start3A_95 : memref<1x2048x64xf32, #tpu.memory_space<vmem>> -> memref<2048x64xf32, #tpu.memory_space<vmem>>
    %dma_start3A_97 = arith.constant 8192 : i32
    %dma_start3A_98 = arith.constant 0 : i32
    %dma_start3A_99 = tpu.memref_slice %arg1[%dma_start3A_88, %dma_start3A_97, %dma_start3A_98] : memref<1x32768x64xf32, #tpu.memory_space<any>> -> memref<1x2048x64xf32, #tpu.memory_space<any>>
    %dma_start3A_100 = tpu.memref_squeeze %dma_start3A_99 : memref<1x2048x64xf32, #tpu.memory_space<any>> -> memref<2048x64xf32, #tpu.memory_space<any>>
    tpu.enqueue_dma source(%dma_start3A_100 : memref<2048x64xf32, #tpu.memory_space<any>>) target(%dma_start3A_96 : memref<2048x64xf32, #tpu.memory_space<vmem>>) target_semaphore(%dma_start3A_92 : memref<!tpu.dma_semaphore, #tpu.memory_space<semaphore_mem>>)
    %dma_wait3A_101 = arith.constant 0 : i32
    %dma_wait3A_102 = arith.constant 1 : i32
    %dma_wait3A_103 = arith.constant 1 : i32
    %dma_wait3A_104 = tpu.memref_slice %arg5[%dma_wait3A_103] : memref<4x!tpu.dma_semaphore, #tpu.memory_space<semaphore_mem>> -> memref<1x!tpu.dma_semaphore, #tpu.memory_space<semaphore_mem>>
    %dma_wait3A_105 = tpu.memref_squeeze %dma_wait3A_104 : memref<1x!tpu.dma_semaphore, #tpu.memory_space<semaphore_mem>> -> memref<!tpu.dma_semaphore, #tpu.memory_space<semaphore_mem>>
    %dma_wait3A_106 = arith.constant 0 : i32
    %dma_wait3A_107 = arith.constant 0 : i32
    %dma_wait3A_108 = tpu.memref_slice %arg3[%dma_wait3A_102, %dma_wait3A_106, %dma_wait3A_107] : memref<4x2048x64xf32, #tpu.memory_space<vmem>> -> memref<1x2048x64xf32, #tpu.memory_space<vmem>>
    %dma_wait3A_109 = tpu.memref_squeeze %dma_wait3A_108 : memref<1x2048x64xf32, #tpu.memory_space<vmem>> -> memref<2048x64xf32, #tpu.memory_space<vmem>>
    %dma_wait3A_110 = arith.constant 2048 : i32
    %dma_wait3A_111 = arith.constant 0 : i32
    %dma_wait3A_112 = tpu.memref_slice %arg1[%dma_wait3A_101, %dma_wait3A_110, %dma_wait3A_111] : memref<1x32768x64xf32, #tpu.memory_space<any>> -> memref<1x2048x64xf32, #tpu.memory_space<any>>
    %dma_wait3A_113 = tpu.memref_squeeze %dma_wait3A_112 : memref<1x2048x64xf32, #tpu.memory_space<any>> -> memref<2048x64xf32, #tpu.memory_space<any>>
    tpu.wait_dma2 semaphore(%dma_wait3A_105 : memref<!tpu.dma_semaphore, #tpu.memory_space<semaphore_mem>>) src(%dma_wait3A_113 : memref<2048x64xf32, #tpu.memory_space<any>>) dst(%dma_wait3A_109 : memref<2048x64xf32, #tpu.memory_space<vmem>>)
    %get3A_114 = arith.constant 1 : index
    %get3A_115 = arith.constant 0 : index
    %get3A_116 = arith.constant 0 : index
    %get3A_117 = vector.load %arg3[%get3A_114, %get3A_115, %get3A_116] : memref<4x2048x64xf32, #tpu.memory_space<vmem>>, vector<1x2048x64xf32>
    %get3A_118 = vector.shape_cast %get3A_117 : vector<1x2048x64xf32> to vector<2048x64xf32>
    %mul3A_119 = vector.broadcast %get3A_0 : f32 to vector<2048x64xf32>
    %mul3A_120 = arith.mulf %get3A_118, %mul3A_119 : vector<2048x64xf32>
    %exp3A_121 = math.exp %mul3A_120 : vector<2048x64xf32>
    %reduce_sum3A_122 = arith.constant dense<0.000000e+00> : vector<2048xf32>
    %reduce_sum3A_123 = vector.multi_reduction <add>, %exp3A_121, %reduce_sum3A_122 [1] : vector<2048x64xf32> to vector<2048xf32>
    %broadcast_in_dim3A_124 = vector.shape_cast %reduce_sum3A_123 : vector<2048xf32> to vector<2048x1xf32>
    %div3A_125 = vector.broadcast %broadcast_in_dim3A_124 : vector<2048x1xf32> to vector<2048x64xf32>
    %div3A_126 = arith.divf %exp3A_121, %div3A_125 : vector<2048x64xf32>
    %swap3A_127 = arith.constant 1 : index
    %swap3A_128 = arith.constant 0 : index
    %swap3A_129 = arith.constant 0 : index
    %swap3A_130 = vector.load %arg4[%swap3A_127, %swap3A_128, %swap3A_129] : memref<4x2048x64xf32, #tpu.memory_space<vmem>>, vector<1x2048x64xf32>
    %swap3A_131 = vector.shape_cast %swap3A_130 : vector<1x2048x64xf32> to vector<2048x64xf32>
    %swap3A_132 = vector.shape_cast %div3A_126 : vector<2048x64xf32> to vector<1x2048x64xf32>
    tpu.vector_store %arg4[%swap3A_127, %swap3A_128, %swap3A_129], %swap3A_132 {strides = array<i32>} : memref<4x2048x64xf32, #tpu.memory_space<vmem>>, vector<1x2048x64xf32>,
    %dma_start3A_133 = arith.constant 1 : i32
    %dma_start3A_134 = arith.constant 1 : i32
    %dma_start3A_135 = tpu.memref_slice %arg6[%dma_start3A_134] : memref<4x!tpu.dma_semaphore, #tpu.memory_space<semaphore_mem>> -> memref<1x!tpu.dma_semaphore, #tpu.memory_space<semaphore_mem>>
    %dma_start3A_136 = tpu.memref_squeeze %dma_start3A_135 : memref<1x!tpu.dma_semaphore, #tpu.memory_space<semaphore_mem>> -> memref<!tpu.dma_semaphore, #tpu.memory_space<semaphore_mem>>
    %dma_start3A_137 = arith.constant 2048 : i32
    %dma_start3A_138 = arith.constant 0 : i32
    %dma_start3A_139 = tpu.memref_slice %arg2[%dma_start3A_137, %dma_start3A_138] : memref<32768x64xf32, #tpu.memory_space<any>> -> memref<2048x64xf32, #tpu.memory_space<any>>
    %dma_start3A_140 = arith.constant 0 : i32
    %dma_start3A_141 = arith.constant 0 : i32
    %dma_start3A_142 = tpu.memref_slice %arg4[%dma_start3A_133, %dma_start3A_140, %dma_start3A_141] : memref<4x2048x64xf32, #tpu.memory_space<vmem>> -> memref<1x2048x64xf32, #tpu.memory_space<vmem>>
    %dma_start3A_143 = tpu.memref_squeeze %dma_start3A_142 : memref<1x2048x64xf32, #tpu.memory_space<vmem>> -> memref<2048x64xf32, #tpu.memory_space<vmem>>
    tpu.enqueue_dma source(%dma_start3A_143 : memref<2048x64xf32, #tpu.memory_space<vmem>>) target(%dma_start3A_139 : memref<2048x64xf32, #tpu.memory_space<any>>) target_semaphore(%dma_start3A_136 : memref<!tpu.dma_semaphore, #tpu.memory_space<semaphore_mem>>)
    %dma_start3A_144 = arith.constant 0 : i32
    %dma_start3A_145 = arith.constant 1 : i32
    %dma_start3A_146 = arith.constant 1 : i32
    %dma_start3A_147 = tpu.memref_slice %arg5[%dma_start3A_146] : memref<4x!tpu.dma_semaphore, #tpu.memory_space<semaphore_mem>> -> memref<1x!tpu.dma_semaphore, #tpu.memory_space<semaphore_mem>>
    %dma_start3A_148 = tpu.memref_squeeze %dma_start3A_147 : memref<1x!tpu.dma_semaphore, #tpu.memory_space<semaphore_mem>> -> memref<!tpu.dma_semaphore, #tpu.memory_space<semaphore_mem>>
    %dma_start3A_149 = arith.constant 0 : i32
    %dma_start3A_150 = arith.constant 0 : i32
    %dma_start3A_151 = tpu.memref_slice %arg3[%dma_start3A_145, %dma_start3A_149, %dma_start3A_150] : memref<4x2048x64xf32, #tpu.memory_space<vmem>> -> memref<1x2048x64xf32, #tpu.memory_space<vmem>>
    %dma_start3A_152 = tpu.memref_squeeze %dma_start3A_151 : memref<1x2048x64xf32, #tpu.memory_space<vmem>> -> memref<2048x64xf32, #tpu.memory_space<vmem>>
    %dma_start3A_153 = arith.constant 10240 : i32
    %dma_start3A_154 = arith.constant 0 : i32
    %dma_start3A_155 = tpu.memref_slice %arg1[%dma_start3A_144, %dma_start3A_153, %dma_start3A_154] : memref<1x32768x64xf32, #tpu.memory_space<any>> -> memref<1x2048x64xf32, #tpu.memory_space<any>>
    %dma_start3A_156 = tpu.memref_squeeze %dma_start3A_155 : memref<1x2048x64xf32, #tpu.memory_space<any>> -> memref<2048x64xf32, #tpu.memory_space<any>>
    tpu.enqueue_dma source(%dma_start3A_156 : memref<2048x64xf32, #tpu.memory_space<any>>) target(%dma_start3A_152 : memref<2048x64xf32, #tpu.memory_space<vmem>>) target_semaphore(%dma_start3A_148 : memref<!tpu.dma_semaphore, #tpu.memory_space<semaphore_mem>>)
    %dma_wait3A_157 = arith.constant 0 : i32
    %dma_wait3A_158 = arith.constant 2 : i32
    %dma_wait3A_159 = arith.constant 2 : i32
    %dma_wait3A_160 = tpu.memref_slice %arg5[%dma_wait3A_159] : memref<4x!tpu.dma_semaphore, #tpu.memory_space<semaphore_mem>> -> memref<1x!tpu.dma_semaphore, #tpu.memory_space<semaphore_mem>>
    %dma_wait3A_161 = tpu.memref_squeeze %dma_wait3A_160 : memref<1x!tpu.dma_semaphore, #tpu.memory_space<semaphore_mem>> -> memref<!tpu.dma_semaphore, #tpu.memory_space<semaphore_mem>>
    %dma_wait3A_162 = arith.constant 0 : i32
    %dma_wait3A_163 = arith.constant 0 : i32
    %dma_wait3A_164 = tpu.memref_slice %arg3[%dma_wait3A_158, %dma_wait3A_162, %dma_wait3A_163] : memref<4x2048x64xf32, #tpu.memory_space<vmem>> -> memref<1x2048x64xf32, #tpu.memory_space<vmem>>
    %dma_wait3A_165 = tpu.memref_squeeze %dma_wait3A_164 : memref<1x2048x64xf32, #tpu.memory_space<vmem>> -> memref<2048x64xf32, #tpu.memory_space<vmem>>
    %dma_wait3A_166 = arith.constant 4096 : i32
    %dma_wait3A_167 = arith.constant 0 : i32
    %dma_wait3A_168 = tpu.memref_slice %arg1[%dma_wait3A_157, %dma_wait3A_166, %dma_wait3A_167] : memref<1x32768x64xf32, #tpu.memory_space<any>> -> memref<1x2048x64xf32, #tpu.memory_space<any>>
    %dma_wait3A_169 = tpu.memref_squeeze %dma_wait3A_168 : memref<1x2048x64xf32, #tpu.memory_space<any>> -> memref<2048x64xf32, #tpu.memory_space<any>>
    tpu.wait_dma2 semaphore(%dma_wait3A_161 : memref<!tpu.dma_semaphore, #tpu.memory_space<semaphore_mem>>) src(%dma_wait3A_169 : memref<2048x64xf32, #tpu.memory_space<any>>) dst(%dma_wait3A_165 : memref<2048x64xf32, #tpu.memory_space<vmem>>)
    %get3A_170 = arith.constant 2 : index
    %get3A_171 = arith.constant 0 : index
    %get3A_172 = arith.constant 0 : index
    %get3A_173 = vector.load %arg3[%get3A_170, %get3A_171, %get3A_172] : memref<4x2048x64xf32, #tpu.memory_space<vmem>>, vector<1x2048x64xf32>
    %get3A_174 = vector.shape_cast %get3A_173 : vector<1x2048x64xf32> to vector<2048x64xf32>
    %mul3A_175 = vector.broadcast %get3A_0 : f32 to vector<2048x64xf32>
    %mul3A_176 = arith.mulf %get3A_174, %mul3A_175 : vector<2048x64xf32>
    %exp3A_177 = math.exp %mul3A_176 : vector<2048x64xf32>
    %reduce_sum3A_178 = arith.constant dense<0.000000e+00> : vector<2048xf32>
    %reduce_sum3A_179 = vector.multi_reduction <add>, %exp3A_177, %reduce_sum3A_178 [1] : vector<2048x64xf32> to vector<2048xf32>
    %broadcast_in_dim3A_180 = vector.shape_cast %reduce_sum3A_179 : vector<2048xf32> to vector<2048x1xf32>
    %div3A_181 = vector.broadcast %broadcast_in_dim3A_180 : vector<2048x1xf32> to vector<2048x64xf32>
    %div3A_182 = arith.divf %exp3A_177, %div3A_181 : vector<2048x64xf32>
    %swap3A_183 = arith.constant 2 : index
    %swap3A_184 = arith.constant 0 : index
    %swap3A_185 = arith.constant 0 : index
    %swap3A_186 = vector.load %arg4[%swap3A_183, %swap3A_184, %swap3A_185] : memref<4x2048x64xf32, #tpu.memory_space<vmem>>, vector<1x2048x64xf32>
    %swap3A_187 = vector.shape_cast %swap3A_186 : vector<1x2048x64xf32> to vector<2048x64xf32>
    %swap3A_188 = vector.shape_cast %div3A_182 : vector<2048x64xf32> to vector<1x2048x64xf32>
    tpu.vector_store %arg4[%swap3A_183, %swap3A_184, %swap3A_185], %swap3A_188 {strides = array<i32>} : memref<4x2048x64xf32, #tpu.memory_space<vmem>>, vector<1x2048x64xf32>,
    %dma_start3A_189 = arith.constant 2 : i32
    %dma_start3A_190 = arith.constant 2 : i32
    %dma_start3A_191 = tpu.memref_slice %arg6[%dma_start3A_190] : memref<4x!tpu.dma_semaphore, #tpu.memory_space<semaphore_mem>> -> memref<1x!tpu.dma_semaphore, #tpu.memory_space<semaphore_mem>>
    %dma_start3A_192 = tpu.memref_squeeze %dma_start3A_191 : memref<1x!tpu.dma_semaphore, #tpu.memory_space<semaphore_mem>> -> memref<!tpu.dma_semaphore, #tpu.memory_space<semaphore_mem>>
    %dma_start3A_193 = arith.constant 4096 : i32
    %dma_start3A_194 = arith.constant 0 : i32
    %dma_start3A_195 = tpu.memref_slice %arg2[%dma_start3A_193, %dma_start3A_194] : memref<32768x64xf32, #tpu.memory_space<any>> -> memref<2048x64xf32, #tpu.memory_space<any>>
    %dma_start3A_196 = arith.constant 0 : i32
    %dma_start3A_197 = arith.constant 0 : i32
    %dma_start3A_198 = tpu.memref_slice %arg4[%dma_start3A_189, %dma_start3A_196, %dma_start3A_197] : memref<4x2048x64xf32, #tpu.memory_space<vmem>> -> memref<1x2048x64xf32, #tpu.memory_space<vmem>>
    %dma_start3A_199 = tpu.memref_squeeze %dma_start3A_198 : memref<1x2048x64xf32, #tpu.memory_space<vmem>> -> memref<2048x64xf32, #tpu.memory_space<vmem>>
    tpu.enqueue_dma source(%dma_start3A_199 : memref<2048x64xf32, #tpu.memory_space<vmem>>) target(%dma_start3A_195 : memref<2048x64xf32, #tpu.memory_space<any>>) target_semaphore(%dma_start3A_192 : memref<!tpu.dma_semaphore, #tpu.memory_space<semaphore_mem>>)
    %dma_start3A_200 = arith.constant 0 : i32
    %dma_start3A_201 = arith.constant 2 : i32
    %dma_start3A_202 = arith.constant 2 : i32
    %dma_start3A_203 = tpu.memref_slice %arg5[%dma_start3A_202] : memref<4x!tpu.dma_semaphore, #tpu.memory_space<semaphore_mem>> -> memref<1x!tpu.dma_semaphore, #tpu.memory_space<semaphore_mem>>
    %dma_start3A_204 = tpu.memref_squeeze %dma_start3A_203 : memref<1x!tpu.dma_semaphore, #tpu.memory_space<semaphore_mem>> -> memref<!tpu.dma_semaphore, #tpu.memory_space<semaphore_mem>>
    %dma_start3A_205 = arith.constant 0 : i32
    %dma_start3A_206 = arith.constant 0 : i32
    %dma_start3A_207 = tpu.memref_slice %arg3[%dma_start3A_201, %dma_start3A_205, %dma_start3A_206] : memref<4x2048x64xf32, #tpu.memory_space<vmem>> -> memref<1x2048x64xf32, #tpu.memory_space<vmem>>
    %dma_start3A_208 = tpu.memref_squeeze %dma_start3A_207 : memref<1x2048x64xf32, #tpu.memory_space<vmem>> -> memref<2048x64xf32, #tpu.memory_space<vmem>>
    %dma_start3A_209 = arith.constant 12288 : i32
    %dma_start3A_210 = arith.constant 0 : i32
    %dma_start3A_211 = tpu.memref_slice %arg1[%dma_start3A_200, %dma_start3A_209, %dma_start3A_210] : memref<1x32768x64xf32, #tpu.memory_space<any>> -> memref<1x2048x64xf32, #tpu.memory_space<any>>
    %dma_start3A_212 = tpu.memref_squeeze %dma_start3A_211 : memref<1x2048x64xf32, #tpu.memory_space<any>> -> memref<2048x64xf32, #tpu.memory_space<any>>
    tpu.enqueue_dma source(%dma_start3A_212 : memref<2048x64xf32, #tpu.memory_space<any>>) target(%dma_start3A_208 : memref<2048x64xf32, #tpu.memory_space<vmem>>) target_semaphore(%dma_start3A_204 : memref<!tpu.dma_semaphore, #tpu.memory_space<semaphore_mem>>)
    %dma_wait3A_213 = arith.constant 0 : i32
    %dma_wait3A_214 = arith.constant 3 : i32
    %dma_wait3A_215 = arith.constant 3 : i32
    %dma_wait3A_216 = tpu.memref_slice %arg5[%dma_wait3A_215] : memref<4x!tpu.dma_semaphore, #tpu.memory_space<semaphore_mem>> -> memref<1x!tpu.dma_semaphore, #tpu.memory_space<semaphore_mem>>
    %dma_wait3A_217 = tpu.memref_squeeze %dma_wait3A_216 : memref<1x!tpu.dma_semaphore, #tpu.memory_space<semaphore_mem>> -> memref<!tpu.dma_semaphore, #tpu.memory_space<semaphore_mem>>
    %dma_wait3A_218 = arith.constant 0 : i32
    %dma_wait3A_219 = arith.constant 0 : i32
    %dma_wait3A_220 = tpu.memref_slice %arg3[%dma_wait3A_214, %dma_wait3A_218, %dma_wait3A_219] : memref<4x2048x64xf32, #tpu.memory_space<vmem>> -> memref<1x2048x64xf32, #tpu.memory_space<vmem>>
    %dma_wait3A_221 = tpu.memref_squeeze %dma_wait3A_220 : memref<1x2048x64xf32, #tpu.memory_space<vmem>> -> memref<2048x64xf32, #tpu.memory_space<vmem>>
    %dma_wait3A_222 = arith.constant 6144 : i32
    %dma_wait3A_223 = arith.constant 0 : i32
    %dma_wait3A_224 = tpu.memref_slice %arg1[%dma_wait3A_213, %dma_wait3A_222, %dma_wait3A_223] : memref<1x32768x64xf32, #tpu.memory_space<any>> -> memref<1x2048x64xf32, #tpu.memory_space<any>>
    %dma_wait3A_225 = tpu.memref_squeeze %dma_wait3A_224 : memref<1x2048x64xf32, #tpu.memory_space<any>> -> memref<2048x64xf32, #tpu.memory_space<any>>
    tpu.wait_dma2 semaphore(%dma_wait3A_217 : memref<!tpu.dma_semaphore, #tpu.memory_space<semaphore_mem>>) src(%dma_wait3A_225 : memref<2048x64xf32, #tpu.memory_space<any>>) dst(%dma_wait3A_221 : memref<2048x64xf32, #tpu.memory_space<vmem>>)
    %get3A_226 = arith.constant 3 : index
    %get3A_227 = arith.constant 0 : index
    %get3A_228 = arith.constant 0 : index
    %get3A_229 = vector.load %arg3[%get3A_226, %get3A_227, %get3A_228] : memref<4x2048x64xf32, #tpu.memory_space<vmem>>, vector<1x2048x64xf32>
    %get3A_230 = vector.shape_cast %get3A_229 : vector<1x2048x64xf32> to vector<2048x64xf32>
    %mul3A_231 = vector.broadcast %get3A_0 : f32 to vector<2048x64xf32>
    %mul3A_232 = arith.mulf %get3A_230, %mul3A_231 : vector<2048x64xf32>
    %exp3A_233 = math.exp %mul3A_232 : vector<2048x64xf32>
    %reduce_sum3A_234 = arith.constant dense<0.000000e+00> : vector<2048xf32>
    %reduce_sum3A_235 = vector.multi_reduction <add>, %exp3A_233, %reduce_sum3A_234 [1] : vector<2048x64xf32> to vector<2048xf32>
    %broadcast_in_dim3A_236 = vector.shape_cast %reduce_sum3A_235 : vector<2048xf32> to vector<2048x1xf32>
    %div3A_237 = vector.broadcast %broadcast_in_dim3A_236 : vector<2048x1xf32> to vector<2048x64xf32>
    %div3A_238 = arith.divf %exp3A_233, %div3A_237 : vector<2048x64xf32>
    %swap3A_239 = arith.constant 3 : index
    %swap3A_240 = arith.constant 0 : index
    %swap3A_241 = arith.constant 0 : index
    %swap3A_242 = vector.load %arg4[%swap3A_239, %swap3A_240, %swap3A_241] : memref<4x2048x64xf32, #tpu.memory_space<vmem>>, vector<1x2048x64xf32>
    %swap3A_243 = vector.shape_cast %swap3A_242 : vector<1x2048x64xf32> to vector<2048x64xf32>
    %swap3A_244 = vector.shape_cast %div3A_238 : vector<2048x64xf32> to vector<1x2048x64xf32>
    tpu.vector_store %arg4[%swap3A_239, %swap3A_240, %swap3A_241], %swap3A_244 {strides = array<i32>} : memref<4x2048x64xf32, #tpu.memory_space<vmem>>, vector<1x2048x64xf32>,
    %dma_start3A_245 = arith.constant 3 : i32
    %dma_start3A_246 = arith.constant 3 : i32
    %dma_start3A_247 = tpu.memref_slice %arg6[%dma_start3A_246] : memref<4x!tpu.dma_semaphore, #tpu.memory_space<semaphore_mem>> -> memref<1x!tpu.dma_semaphore, #tpu.memory_space<semaphore_mem>>
    %dma_start3A_248 = tpu.memref_squeeze %dma_start3A_247 : memref<1x!tpu.dma_semaphore, #tpu.memory_space<semaphore_mem>> -> memref<!tpu.dma_semaphore, #tpu.memory_space<semaphore_mem>>
    %dma_start3A_249 = arith.constant 6144 : i32
    %dma_start3A_250 = arith.constant 0 : i32
    %dma_start3A_251 = tpu.memref_slice %arg2[%dma_start3A_249, %dma_start3A_250] : memref<32768x64xf32, #tpu.memory_space<any>> -> memref<2048x64xf32, #tpu.memory_space<any>>
    %dma_start3A_252 = arith.constant 0 : i32
    %dma_start3A_253 = arith.constant 0 : i32
    %dma_start3A_254 = tpu.memref_slice %arg4[%dma_start3A_245, %dma_start3A_252, %dma_start3A_253] : memref<4x2048x64xf32, #tpu.memory_space<vmem>> -> memref<1x2048x64xf32, #tpu.memory_space<vmem>>
    %dma_start3A_255 = tpu.memref_squeeze %dma_start3A_254 : memref<1x2048x64xf32, #tpu.memory_space<vmem>> -> memref<2048x64xf32, #tpu.memory_space<vmem>>
    tpu.enqueue_dma source(%dma_start3A_255 : memref<2048x64xf32, #tpu.memory_space<vmem>>) target(%dma_start3A_251 : memref<2048x64xf32, #tpu.memory_space<any>>) target_semaphore(%dma_start3A_248 : memref<!tpu.dma_semaphore, #tpu.memory_space<semaphore_mem>>)
    %dma_start3A_256 = arith.constant 0 : i32
    %dma_start3A_257 = arith.constant 3 : i32
    %dma_start3A_258 = arith.constant 3 : i32
    %dma_start3A_259 = tpu.memref_slice %arg5[%dma_start3A_258] : memref<4x!tpu.dma_semaphore, #tpu.memory_space<semaphore_mem>> -> memref<1x!tpu.dma_semaphore, #tpu.memory_space<semaphore_mem>>
    %dma_start3A_260 = tpu.memref_squeeze %dma_start3A_259 : memref<1x!tpu.dma_semaphore, #tpu.memory_space<semaphore_mem>> -> memref<!tpu.dma_semaphore, #tpu.memory_space<semaphore_mem>>
    %dma_start3A_261 = arith.constant 0 : i32
    %dma_start3A_262 = arith.constant 0 : i32
    %dma_start3A_263 = tpu.memref_slice %arg3[%dma_start3A_257, %dma_start3A_261, %dma_start3A_262] : memref<4x2048x64xf32, #tpu.memory_space<vmem>> -> memref<1x2048x64xf32, #tpu.memory_space<vmem>>
    %dma_start3A_264 = tpu.memref_squeeze %dma_start3A_263 : memref<1x2048x64xf32, #tpu.memory_space<vmem>> -> memref<2048x64xf32, #tpu.memory_space<vmem>>
    %dma_start3A_265 = arith.constant 14336 : i32
    %dma_start3A_266 = arith.constant 0 : i32
    %dma_start3A_267 = tpu.memref_slice %arg1[%dma_start3A_256, %dma_start3A_265, %dma_start3A_266] : memref<1x32768x64xf32, #tpu.memory_space<any>> -> memref<1x2048x64xf32, #tpu.memory_space<any>>
    %dma_start3A_268 = tpu.memref_squeeze %dma_start3A_267 : memref<1x2048x64xf32, #tpu.memory_space<any>> -> memref<2048x64xf32, #tpu.memory_space<any>>
    tpu.enqueue_dma source(%dma_start3A_268 : memref<2048x64xf32, #tpu.memory_space<any>>) target(%dma_start3A_264 : memref<2048x64xf32, #tpu.memory_space<vmem>>) target_semaphore(%dma_start3A_260 : memref<!tpu.dma_semaphore, #tpu.memory_space<semaphore_mem>>)
    %dma_wait3A_269 = arith.constant 0 : i32
    %dma_wait3A_270 = arith.constant 0 : i32
    %dma_wait3A_271 = arith.constant 0 : i32
    %dma_wait3A_272 = tpu.memref_slice %arg5[%dma_wait3A_271] : memref<4x!tpu.dma_semaphore, #tpu.memory_space<semaphore_mem>> -> memref<1x!tpu.dma_semaphore, #tpu.memory_space<semaphore_mem>>
    %dma_wait3A_273 = tpu.memref_squeeze %dma_wait3A_272 : memref<1x!tpu.dma_semaphore, #tpu.memory_space<semaphore_mem>> -> memref<!tpu.dma_semaphore, #tpu.memory_space<semaphore_mem>>
    %dma_wait3A_274 = arith.constant 0 : i32
    %dma_wait3A_275 = arith.constant 0 : i32
    %dma_wait3A_276 = tpu.memref_slice %arg3[%dma_wait3A_270, %dma_wait3A_274, %dma_wait3A_275] : memref<4x2048x64xf32, #tpu.memory_space<vmem>> -> memref<1x2048x64xf32, #tpu.memory_space<vmem>>
    %dma_wait3A_277 = tpu.memref_squeeze %dma_wait3A_276 : memref<1x2048x64xf32, #tpu.memory_space<vmem>> -> memref<2048x64xf32, #tpu.memory_space<vmem>>
    %dma_wait3A_278 = arith.constant 8192 : i32
    %dma_wait3A_279 = arith.constant 0 : i32
    %dma_wait3A_280 = tpu.memref_slice %arg1[%dma_wait3A_269, %dma_wait3A_278, %dma_wait3A_279] : memref<1x32768x64xf32, #tpu.memory_space<any>> -> memref<1x2048x64xf32, #tpu.memory_space<any>>
    %dma_wait3A_281 = tpu.memref_squeeze %dma_wait3A_280 : memref<1x2048x64xf32, #tpu.memory_space<any>> -> memref<2048x64xf32, #tpu.memory_space<any>>
    tpu.wait_dma2 semaphore(%dma_wait3A_273 : memref<!tpu.dma_semaphore, #tpu.memory_space<semaphore_mem>>) src(%dma_wait3A_281 : memref<2048x64xf32, #tpu.memory_space<any>>) dst(%dma_wait3A_277 : memref<2048x64xf32, #tpu.memory_space<vmem>>)
    %dma_wait3A_282 = arith.constant 0 : i32
    %dma_wait3A_283 = arith.constant 0 : i32
    %dma_wait3A_284 = tpu.memref_slice %arg6[%dma_wait3A_283] : memref<4x!tpu.dma_semaphore, #tpu.memory_space<semaphore_mem>> -> memref<1x!tpu.dma_semaphore, #tpu.memory_space<semaphore_mem>>
    %dma_wait3A_285 = tpu.memref_squeeze %dma_wait3A_284 : memref<1x!tpu.dma_semaphore, #tpu.memory_space<semaphore_mem>> -> memref<!tpu.dma_semaphore, #tpu.memory_space<semaphore_mem>>
    %dma_wait3A_286 = arith.constant 0 : i32
    %dma_wait3A_287 = arith.constant 0 : i32
    %dma_wait3A_288 = tpu.memref_slice %arg2[%dma_wait3A_286, %dma_wait3A_287] : memref<32768x64xf32, #tpu.memory_space<any>> -> memref<2048x64xf32, #tpu.memory_space<any>>
    %dma_wait3A_289 = arith.constant 0 : i32
    %dma_wait3A_290 = arith.constant 0 : i32
    %dma_wait3A_291 = tpu.memref_slice %arg4[%dma_wait3A_282, %dma_wait3A_289, %dma_wait3A_290] : memref<4x2048x64xf32, #tpu.memory_space<vmem>> -> memref<1x2048x64xf32, #tpu.memory_space<vmem>>
    %dma_wait3A_292 = tpu.memref_squeeze %dma_wait3A_291 : memref<1x2048x64xf32, #tpu.memory_space<vmem>> -> memref<2048x64xf32, #tpu.memory_space<vmem>>
    tpu.wait_dma2 semaphore(%dma_wait3A_285 : memref<!tpu.dma_semaphore, #tpu.memory_space<semaphore_mem>>) src(%dma_wait3A_292 : memref<2048x64xf32, #tpu.memory_space<vmem>>) dst(%dma_wait3A_288 : memref<2048x64xf32, #tpu.memory_space<any>>)
    %get3A_293 = arith.constant 0 : index
    %get3A_294 = arith.constant 0 : index
    %get3A_295 = arith.constant 0 : index
    %get3A_296 = vector.load %arg3[%get3A_293, %get3A_294, %get3A_295] : memref<4x2048x64xf32, #tpu.memory_space<vmem>>, vector<1x2048x64xf32>
    %get3A_297 = vector.shape_cast %get3A_296 : vector<1x2048x64xf32> to vector<2048x64xf32>
    %mul3A_298 = vector.broadcast %get3A_0 : f32 to vector<2048x64xf32>
    %mul3A_299 = arith.mulf %get3A_297, %mul3A_298 : vector<2048x64xf32>
    %exp3A_300 = math.exp %mul3A_299 : vector<2048x64xf32>
    %reduce_sum3A_301 = arith.constant dense<0.000000e+00> : vector<2048xf32>
    %reduce_sum3A_302 = vector.multi_reduction <add>, %exp3A_300, %reduce_sum3A_301 [1] : vector<2048x64xf32> to vector<2048xf32>
    %broadcast_in_dim3A_303 = vector.shape_cast %reduce_sum3A_302 : vector<2048xf32> to vector<2048x1xf32>
    %div3A_304 = vector.broadcast %broadcast_in_dim3A_303 : vector<2048x1xf32> to vector<2048x64xf32>
    %div3A_305 = arith.divf %exp3A_300, %div3A_304 : vector<2048x64xf32>
    %swap3A_306 = arith.constant 0 : index
    %swap3A_307 = arith.constant 0 : index
    %swap3A_308 = arith.constant 0 : index
    %swap3A_309 = vector.load %arg4[%swap3A_306, %swap3A_307, %swap3A_308] : memref<4x2048x64xf32, #tpu.memory_space<vmem>>, vector<1x2048x64xf32>
    %swap3A_310 = vector.shape_cast %swap3A_309 : vector<1x2048x64xf32> to vector<2048x64xf32>
    %swap3A_311 = vector.shape_cast %div3A_305 : vector<2048x64xf32> to vector<1x2048x64xf32>
    tpu.vector_store %arg4[%swap3A_306, %swap3A_307, %swap3A_308], %swap3A_311 {strides = array<i32>} : memref<4x2048x64xf32, #tpu.memory_space<vmem>>, vector<1x2048x64xf32>,
    %dma_start3A_312 = arith.constant 0 : i32
    %dma_start3A_313 = arith.constant 0 : i32
    %dma_start3A_314 = tpu.memref_slice %arg6[%dma_start3A_313] : memref<4x!tpu.dma_semaphore, #tpu.memory_space<semaphore_mem>> -> memref<1x!tpu.dma_semaphore, #tpu.memory_space<semaphore_mem>>
    %dma_start3A_315 = tpu.memref_squeeze %dma_start3A_314 : memref<1x!tpu.dma_semaphore, #tpu.memory_space<semaphore_mem>> -> memref<!tpu.dma_semaphore, #tpu.memory_space<semaphore_mem>>
    %dma_start3A_316 = arith.constant 8192 : i32
    %dma_start3A_317 = arith.constant 0 : i32
    %dma_start3A_318 = tpu.memref_slice %arg2[%dma_start3A_316, %dma_start3A_317] : memref<32768x64xf32, #tpu.memory_space<any>> -> memref<2048x64xf32, #tpu.memory_space<any>>
    %dma_start3A_319 = arith.constant 0 : i32
    %dma_start3A_320 = arith.constant 0 : i32
    %dma_start3A_321 = tpu.memref_slice %arg4[%dma_start3A_312, %dma_start3A_319, %dma_start3A_320] : memref<4x2048x64xf32, #tpu.memory_space<vmem>> -> memref<1x2048x64xf32, #tpu.memory_space<vmem>>
    %dma_start3A_322 = tpu.memref_squeeze %dma_start3A_321 : memref<1x2048x64xf32, #tpu.memory_space<vmem>> -> memref<2048x64xf32, #tpu.memory_space<vmem>>
    tpu.enqueue_dma source(%dma_start3A_322 : memref<2048x64xf32, #tpu.memory_space<vmem>>) target(%dma_start3A_318 : memref<2048x64xf32, #tpu.memory_space<any>>) target_semaphore(%dma_start3A_315 : memref<!tpu.dma_semaphore, #tpu.memory_space<semaphore_mem>>)
    %dma_start3A_323 = arith.constant 0 : i32
    %dma_start3A_324 = arith.constant 0 : i32
    %dma_start3A_325 = arith.constant 0 : i32
    %dma_start3A_326 = tpu.memref_slice %arg5[%dma_start3A_325] : memref<4x!tpu.dma_semaphore, #tpu.memory_space<semaphore_mem>> -> memref<1x!tpu.dma_semaphore, #tpu.memory_space<semaphore_mem>>
    %dma_start3A_327 = tpu.memref_squeeze %dma_start3A_326 : memref<1x!tpu.dma_semaphore, #tpu.memory_space<semaphore_mem>> -> memref<!tpu.dma_semaphore, #tpu.memory_space<semaphore_mem>>
    %dma_start3A_328 = arith.constant 0 : i32
    %dma_start3A_329 = arith.constant 0 : i32
    %dma_start3A_330 = tpu.memref_slice %arg3[%dma_start3A_324, %dma_start3A_328, %dma_start3A_329] : memref<4x2048x64xf32, #tpu.memory_space<vmem>> -> memref<1x2048x64xf32, #tpu.memory_space<vmem>>
    %dma_start3A_331 = tpu.memref_squeeze %dma_start3A_330 : memref<1x2048x64xf32, #tpu.memory_space<vmem>> -> memref<2048x64xf32, #tpu.memory_space<vmem>>
    %dma_start3A_332 = arith.constant 16384 : i32
    %dma_start3A_333 = arith.constant 0 : i32
    %dma_start3A_334 = tpu.memref_slice %arg1[%dma_start3A_323, %dma_start3A_332, %dma_start3A_333] : memref<1x32768x64xf32, #tpu.memory_space<any>> -> memref<1x2048x64xf32, #tpu.memory_space<any>>
    %dma_start3A_335 = tpu.memref_squeeze %dma_start3A_334 : memref<1x2048x64xf32, #tpu.memory_space<any>> -> memref<2048x64xf32, #tpu.memory_space<any>>
    tpu.enqueue_dma source(%dma_start3A_335 : memref<2048x64xf32, #tpu.memory_space<any>>) target(%dma_start3A_331 : memref<2048x64xf32, #tpu.memory_space<vmem>>) target_semaphore(%dma_start3A_327 : memref<!tpu.dma_semaphore, #tpu.memory_space<semaphore_mem>>)
    %dma_wait3A_336 = arith.constant 0 : i32
    %dma_wait3A_337 = arith.constant 1 : i32
    %dma_wait3A_338 = arith.constant 1 : i32
    %dma_wait3A_339 = tpu.memref_slice %arg5[%dma_wait3A_338] : memref<4x!tpu.dma_semaphore, #tpu.memory_space<semaphore_mem>> -> memref<1x!tpu.dma_semaphore, #tpu.memory_space<semaphore_mem>>
    %dma_wait3A_340 = tpu.memref_squeeze %dma_wait3A_339 : memref<1x!tpu.dma_semaphore, #tpu.memory_space<semaphore_mem>> -> memref<!tpu.dma_semaphore, #tpu.memory_space<semaphore_mem>>
    %dma_wait3A_341 = arith.constant 0 : i32
    %dma_wait3A_342 = arith.constant 0 : i32
    %dma_wait3A_343 = tpu.memref_slice %arg3[%dma_wait3A_337, %dma_wait3A_341, %dma_wait3A_342] : memref<4x2048x64xf32, #tpu.memory_space<vmem>> -> memref<1x2048x64xf32, #tpu.memory_space<vmem>>
    %dma_wait3A_344 = tpu.memref_squeeze %dma_wait3A_343 : memref<1x2048x64xf32, #tpu.memory_space<vmem>> -> memref<2048x64xf32, #tpu.memory_space<vmem>>
    %dma_wait3A_345 = arith.constant 10240 : i32
    %dma_wait3A_346 = arith.constant 0 : i32
    %dma_wait3A_347 = tpu.memref_slice %arg1[%dma_wait3A_336, %dma_wait3A_345, %dma_wait3A_346] : memref<1x32768x64xf32, #tpu.memory_space<any>> -> memref<1x2048x64xf32, #tpu.memory_space<any>>
    %dma_wait3A_348 = tpu.memref_squeeze %dma_wait3A_347 : memref<1x2048x64xf32, #tpu.memory_space<any>> -> memref<2048x64xf32, #tpu.memory_space<any>>
    tpu.wait_dma2 semaphore(%dma_wait3A_340 : memref<!tpu.dma_semaphore, #tpu.memory_space<semaphore_mem>>) src(%dma_wait3A_348 : memref<2048x64xf32, #tpu.memory_space<any>>) dst(%dma_wait3A_344 : memref<2048x64xf32, #tpu.memory_space<vmem>>)
    %dma_wait3A_349 = arith.constant 1 : i32
    %dma_wait3A_350 = arith.constant 1 : i32
    %dma_wait3A_351 = tpu.memref_slice %arg6[%dma_wait3A_350] : memref<4x!tpu.dma_semaphore, #tpu.memory_space<semaphore_mem>> -> memref<1x!tpu.dma_semaphore, #tpu.memory_space<semaphore_mem>>
    %dma_wait3A_352 = tpu.memref_squeeze %dma_wait3A_351 : memref<1x!tpu.dma_semaphore, #tpu.memory_space<semaphore_mem>> -> memref<!tpu.dma_semaphore, #tpu.memory_space<semaphore_mem>>
    %dma_wait3A_353 = arith.constant 2048 : i32
    %dma_wait3A_354 = arith.constant 0 : i32
    %dma_wait3A_355 = tpu.memref_slice %arg2[%dma_wait3A_353, %dma_wait3A_354] : memref<32768x64xf32, #tpu.memory_space<any>> -> memref<2048x64xf32, #tpu.memory_space<any>>
    %dma_wait3A_356 = arith.constant 0 : i32
    %dma_wait3A_357 = arith.constant 0 : i32
    %dma_wait3A_358 = tpu.memref_slice %arg4[%dma_wait3A_349, %dma_wait3A_356, %dma_wait3A_357] : memref<4x2048x64xf32, #tpu.memory_space<vmem>> -> memref<1x2048x64xf32, #tpu.memory_space<vmem>>
    %dma_wait3A_359 = tpu.memref_squeeze %dma_wait3A_358 : memref<1x2048x64xf32, #tpu.memory_space<vmem>> -> memref<2048x64xf32, #tpu.memory_space<vmem>>
    tpu.wait_dma2 semaphore(%dma_wait3A_352 : memref<!tpu.dma_semaphore, #tpu.memory_space<semaphore_mem>>) src(%dma_wait3A_359 : memref<2048x64xf32, #tpu.memory_space<vmem>>) dst(%dma_wait3A_355 : memref<2048x64xf32, #tpu.memory_space<any>>)
    %get3A_360 = arith.constant 1 : index
    %get3A_361 = arith.constant 0 : index
    %get3A_362 = arith.constant 0 : index
    %get3A_363 = vector.load %arg3[%get3A_360, %get3A_361, %get3A_362] : memref<4x2048x64xf32, #tpu.memory_space<vmem>>, vector<1x2048x64xf32>
    %get3A_364 = vector.shape_cast %get3A_363 : vector<1x2048x64xf32> to vector<2048x64xf32>
    %mul3A_365 = vector.broadcast %get3A_0 : f32 to vector<2048x64xf32>
    %mul3A_366 = arith.mulf %get3A_364, %mul3A_365 : vector<2048x64xf32>
    %exp3A_367 = math.exp %mul3A_366 : vector<2048x64xf32>
    %reduce_sum3A_368 = arith.constant dense<0.000000e+00> : vector<2048xf32>
    %reduce_sum3A_369 = vector.multi_reduction <add>, %exp3A_367, %reduce_sum3A_368 [1] : vector<2048x64xf32> to vector<2048xf32>
    %broadcast_in_dim3A_370 = vector.shape_cast %reduce_sum3A_369 : vector<2048xf32> to vector<2048x1xf32>
    %div3A_371 = vector.broadcast %broadcast_in_dim3A_370 : vector<2048x1xf32> to vector<2048x64xf32>
    %div3A_372 = arith.divf %exp3A_367, %div3A_371 : vector<2048x64xf32>
    %swap3A_373 = arith.constant 1 : index
    %swap3A_374 = arith.constant 0 : index
    %swap3A_375 = arith.constant 0 : index
    %swap3A_376 = vector.load %arg4[%swap3A_373, %swap3A_374, %swap3A_375] : memref<4x2048x64xf32, #tpu.memory_space<vmem>>, vector<1x2048x64xf32>
    %swap3A_377 = vector.shape_cast %swap3A_376 : vector<1x2048x64xf32> to vector<2048x64xf32>
    %swap3A_378 = vector.shape_cast %div3A_372 : vector<2048x64xf32> to vector<1x2048x64xf32>
    tpu.vector_store %arg4[%swap3A_373, %swap3A_374, %swap3A_375], %swap3A_378 {strides = array<i32>} : memref<4x2048x64xf32, #tpu.memory_space<vmem>>, vector<1x2048x64xf32>,
    %dma_start3A_379 = arith.constant 1 : i32
    %dma_start3A_380 = arith.constant 1 : i32
    %dma_start3A_381 = tpu.memref_slice %arg6[%dma_start3A_380] : memref<4x!tpu.dma_semaphore, #tpu.memory_space<semaphore_mem>> -> memref<1x!tpu.dma_semaphore, #tpu.memory_space<semaphore_mem>>
    %dma_start3A_382 = tpu.memref_squeeze %dma_start3A_381 : memref<1x!tpu.dma_semaphore, #tpu.memory_space<semaphore_mem>> -> memref<!tpu.dma_semaphore, #tpu.memory_space<semaphore_mem>>
    %dma_start3A_383 = arith.constant 10240 : i32
    %dma_start3A_384 = arith.constant 0 : i32
    %dma_start3A_385 = tpu.memref_slice %arg2[%dma_start3A_383, %dma_start3A_384] : memref<32768x64xf32, #tpu.memory_space<any>> -> memref<2048x64xf32, #tpu.memory_space<any>>
    %dma_start3A_386 = arith.constant 0 : i32
    %dma_start3A_387 = arith.constant 0 : i32
    %dma_start3A_388 = tpu.memref_slice %arg4[%dma_start3A_379, %dma_start3A_386, %dma_start3A_387] : memref<4x2048x64xf32, #tpu.memory_space<vmem>> -> memref<1x2048x64xf32, #tpu.memory_space<vmem>>
    %dma_start3A_389 = tpu.memref_squeeze %dma_start3A_388 : memref<1x2048x64xf32, #tpu.memory_space<vmem>> -> memref<2048x64xf32, #tpu.memory_space<vmem>>
    tpu.enqueue_dma source(%dma_start3A_389 : memref<2048x64xf32, #tpu.memory_space<vmem>>) target(%dma_start3A_385 : memref<2048x64xf32, #tpu.memory_space<any>>) target_semaphore(%dma_start3A_382 : memref<!tpu.dma_semaphore, #tpu.memory_space<semaphore_mem>>)
    %dma_start3A_390 = arith.constant 0 : i32
    %dma_start3A_391 = arith.constant 1 : i32
    %dma_start3A_392 = arith.constant 1 : i32
    %dma_start3A_393 = tpu.memref_slice %arg5[%dma_start3A_392] : memref<4x!tpu.dma_semaphore, #tpu.memory_space<semaphore_mem>> -> memref<1x!tpu.dma_semaphore, #tpu.memory_space<semaphore_mem>>
    %dma_start3A_394 = tpu.memref_squeeze %dma_start3A_393 : memref<1x!tpu.dma_semaphore, #tpu.memory_space<semaphore_mem>> -> memref<!tpu.dma_semaphore, #tpu.memory_space<semaphore_mem>>
    %dma_start3A_395 = arith.constant 0 : i32
    %dma_start3A_396 = arith.constant 0 : i32
    %dma_start3A_397 = tpu.memref_slice %arg3[%dma_start3A_391, %dma_start3A_395, %dma_start3A_396] : memref<4x2048x64xf32, #tpu.memory_space<vmem>> -> memref<1x2048x64xf32, #tpu.memory_space<vmem>>
    %dma_start3A_398 = tpu.memref_squeeze %dma_start3A_397 : memref<1x2048x64xf32, #tpu.memory_space<vmem>> -> memref<2048x64xf32, #tpu.memory_space<vmem>>
    %dma_start3A_399 = arith.constant 18432 : i32
    %dma_start3A_400 = arith.constant 0 : i32
    %dma_start3A_401 = tpu.memref_slice %arg1[%dma_start3A_390, %dma_start3A_399, %dma_start3A_400] : memref<1x32768x64xf32, #tpu.memory_space<any>> -> memref<1x2048x64xf32, #tpu.memory_space<any>>
    %dma_start3A_402 = tpu.memref_squeeze %dma_start3A_401 : memref<1x2048x64xf32, #tpu.memory_space<any>> -> memref<2048x64xf32, #tpu.memory_space<any>>
    tpu.enqueue_dma source(%dma_start3A_402 : memref<2048x64xf32, #tpu.memory_space<any>>) target(%dma_start3A_398 : memref<2048x64xf32, #tpu.memory_space<vmem>>) target_semaphore(%dma_start3A_394 : memref<!tpu.dma_semaphore, #tpu.memory_space<semaphore_mem>>)
    %dma_wait3A_403 = arith.constant 0 : i32
    %dma_wait3A_404 = arith.constant 2 : i32
    %dma_wait3A_405 = arith.constant 2 : i32
    %dma_wait3A_406 = tpu.memref_slice %arg5[%dma_wait3A_405] : memref<4x!tpu.dma_semaphore, #tpu.memory_space<semaphore_mem>> -> memref<1x!tpu.dma_semaphore, #tpu.memory_space<semaphore_mem>>
    %dma_wait3A_407 = tpu.memref_squeeze %dma_wait3A_406 : memref<1x!tpu.dma_semaphore, #tpu.memory_space<semaphore_mem>> -> memref<!tpu.dma_semaphore, #tpu.memory_space<semaphore_mem>>
    %dma_wait3A_408 = arith.constant 0 : i32
    %dma_wait3A_409 = arith.constant 0 : i32
    %dma_wait3A_410 = tpu.memref_slice %arg3[%dma_wait3A_404, %dma_wait3A_408, %dma_wait3A_409] : memref<4x2048x64xf32, #tpu.memory_space<vmem>> -> memref<1x2048x64xf32, #tpu.memory_space<vmem>>
    %dma_wait3A_411 = tpu.memref_squeeze %dma_wait3A_410 : memref<1x2048x64xf32, #tpu.memory_space<vmem>> -> memref<2048x64xf32, #tpu.memory_space<vmem>>
    %dma_wait3A_412 = arith.constant 12288 : i32
    %dma_wait3A_413 = arith.constant 0 : i32
    %dma_wait3A_414 = tpu.memref_slice %arg1[%dma_wait3A_403, %dma_wait3A_412, %dma_wait3A_413] : memref<1x32768x64xf32, #tpu.memory_space<any>> -> memref<1x2048x64xf32, #tpu.memory_space<any>>
    %dma_wait3A_415 = tpu.memref_squeeze %dma_wait3A_414 : memref<1x2048x64xf32, #tpu.memory_space<any>> -> memref<2048x64xf32, #tpu.memory_space<any>>
    tpu.wait_dma2 semaphore(%dma_wait3A_407 : memref<!tpu.dma_semaphore, #tpu.memory_space<semaphore_mem>>) src(%dma_wait3A_415 : memref<2048x64xf32, #tpu.memory_space<any>>) dst(%dma_wait3A_411 : memref<2048x64xf32, #tpu.memory_space<vmem>>)
    %dma_wait3A_416 = arith.constant 2 : i32
    %dma_wait3A_417 = arith.constant 2 : i32
    %dma_wait3A_418 = tpu.memref_slice %arg6[%dma_wait3A_417] : memref<4x!tpu.dma_semaphore, #tpu.memory_space<semaphore_mem>> -> memref<1x!tpu.dma_semaphore, #tpu.memory_space<semaphore_mem>>
    %dma_wait3A_419 = tpu.memref_squeeze %dma_wait3A_418 : memref<1x!tpu.dma_semaphore, #tpu.memory_space<semaphore_mem>> -> memref<!tpu.dma_semaphore, #tpu.memory_space<semaphore_mem>>
    %dma_wait3A_420 = arith.constant 4096 : i32
    %dma_wait3A_421 = arith.constant 0 : i32
    %dma_wait3A_422 = tpu.memref_slice %arg2[%dma_wait3A_420, %dma_wait3A_421] : memref<32768x64xf32, #tpu.memory_space<any>> -> memref<2048x64xf32, #tpu.memory_space<any>>
    %dma_wait3A_423 = arith.constant 0 : i32
    %dma_wait3A_424 = arith.constant 0 : i32
    %dma_wait3A_425 = tpu.memref_slice %arg4[%dma_wait3A_416, %dma_wait3A_423, %dma_wait3A_424] : memref<4x2048x64xf32, #tpu.memory_space<vmem>> -> memref<1x2048x64xf32, #tpu.memory_space<vmem>>
    %dma_wait3A_426 = tpu.memref_squeeze %dma_wait3A_425 : memref<1x2048x64xf32, #tpu.memory_space<vmem>> -> memref<2048x64xf32, #tpu.memory_space<vmem>>
    tpu.wait_dma2 semaphore(%dma_wait3A_419 : memref<!tpu.dma_semaphore, #tpu.memory_space<semaphore_mem>>) src(%dma_wait3A_426 : memref<2048x64xf32, #tpu.memory_space<vmem>>) dst(%dma_wait3A_422 : memref<2048x64xf32, #tpu.memory_space<any>>)
    %get3A_427 = arith.constant 2 : index
    %get3A_428 = arith.constant 0 : index
    %get3A_429 = arith.constant 0 : index
    %get3A_430 = vector.load %arg3[%get3A_427, %get3A_428, %get3A_429] : memref<4x2048x64xf32, #tpu.memory_space<vmem>>, vector<1x2048x64xf32>
    %get3A_431 = vector.shape_cast %get3A_430 : vector<1x2048x64xf32> to vector<2048x64xf32>
    %mul3A_432 = vector.broadcast %get3A_0 : f32 to vector<2048x64xf32>
    %mul3A_433 = arith.mulf %get3A_431, %mul3A_432 : vector<2048x64xf32>
    %exp3A_434 = math.exp %mul3A_433 : vector<2048x64xf32>
    %reduce_sum3A_435 = arith.constant dense<0.000000e+00> : vector<2048xf32>
    %reduce_sum3A_436 = vector.multi_reduction <add>, %exp3A_434, %reduce_sum3A_435 [1] : vector<2048x64xf32> to vector<2048xf32>
    %broadcast_in_dim3A_437 = vector.shape_cast %reduce_sum3A_436 : vector<2048xf32> to vector<2048x1xf32>
    %div3A_438 = vector.broadcast %broadcast_in_dim3A_437 : vector<2048x1xf32> to vector<2048x64xf32>
    %div3A_439 = arith.divf %exp3A_434, %div3A_438 : vector<2048x64xf32>
    %swap3A_440 = arith.constant 2 : index
    %swap3A_441 = arith.constant 0 : index
    %swap3A_442 = arith.constant 0 : index
    %swap3A_443 = vector.load %arg4[%swap3A_440, %swap3A_441, %swap3A_442] : memref<4x2048x64xf32, #tpu.memory_space<vmem>>, vector<1x2048x64xf32>
    %swap3A_444 = vector.shape_cast %swap3A_443 : vector<1x2048x64xf32> to vector<2048x64xf32>
    %swap3A_445 = vector.shape_cast %div3A_439 : vector<2048x64xf32> to vector<1x2048x64xf32>
    tpu.vector_store %arg4[%swap3A_440, %swap3A_441, %swap3A_442], %swap3A_445 {strides = array<i32>} : memref<4x2048x64xf32, #tpu.memory_space<vmem>>, vector<1x2048x64xf32>,
    %dma_start3A_446 = arith.constant 2 : i32
    %dma_start3A_447 = arith.constant 2 : i32
    %dma_start3A_448 = tpu.memref_slice %arg6[%dma_start3A_447] : memref<4x!tpu.dma_semaphore, #tpu.memory_space<semaphore_mem>> -> memref<1x!tpu.dma_semaphore, #tpu.memory_space<semaphore_mem>>
    %dma_start3A_449 = tpu.memref_squeeze %dma_start3A_448 : memref<1x!tpu.dma_semaphore, #tpu.memory_space<semaphore_mem>> -> memref<!tpu.dma_semaphore, #tpu.memory_space<semaphore_mem>>
    %dma_start3A_450 = arith.constant 12288 : i32
    %dma_start3A_451 = arith.constant 0 : i32
    %dma_start3A_452 = tpu.memref_slice %arg2[%dma_start3A_450, %dma_start3A_451] : memref<32768x64xf32, #tpu.memory_space<any>> -> memref<2048x64xf32, #tpu.memory_space<any>>
    %dma_start3A_453 = arith.constant 0 : i32
    %dma_start3A_454 = arith.constant 0 : i32
    %dma_start3A_455 = tpu.memref_slice %arg4[%dma_start3A_446, %dma_start3A_453, %dma_start3A_454] : memref<4x2048x64xf32, #tpu.memory_space<vmem>> -> memref<1x2048x64xf32, #tpu.memory_space<vmem>>
    %dma_start3A_456 = tpu.memref_squeeze %dma_start3A_455 : memref<1x2048x64xf32, #tpu.memory_space<vmem>> -> memref<2048x64xf32, #tpu.memory_space<vmem>>
    tpu.enqueue_dma source(%dma_start3A_456 : memref<2048x64xf32, #tpu.memory_space<vmem>>) target(%dma_start3A_452 : memref<2048x64xf32, #tpu.memory_space<any>>) target_semaphore(%dma_start3A_449 : memref<!tpu.dma_semaphore, #tpu.memory_space<semaphore_mem>>)
    %dma_start3A_457 = arith.constant 0 : i32
    %dma_start3A_458 = arith.constant 2 : i32
    %dma_start3A_459 = arith.constant 2 : i32
    %dma_start3A_460 = tpu.memref_slice %arg5[%dma_start3A_459] : memref<4x!tpu.dma_semaphore, #tpu.memory_space<semaphore_mem>> -> memref<1x!tpu.dma_semaphore, #tpu.memory_space<semaphore_mem>>
    %dma_start3A_461 = tpu.memref_squeeze %dma_start3A_460 : memref<1x!tpu.dma_semaphore, #tpu.memory_space<semaphore_mem>> -> memref<!tpu.dma_semaphore, #tpu.memory_space<semaphore_mem>>
    %dma_start3A_462 = arith.constant 0 : i32
    %dma_start3A_463 = arith.constant 0 : i32
    %dma_start3A_464 = tpu.memref_slice %arg3[%dma_start3A_458, %dma_start3A_462, %dma_start3A_463] : memref<4x2048x64xf32, #tpu.memory_space<vmem>> -> memref<1x2048x64xf32, #tpu.memory_space<vmem>>
    %dma_start3A_465 = tpu.memref_squeeze %dma_start3A_464 : memref<1x2048x64xf32, #tpu.memory_space<vmem>> -> memref<2048x64xf32, #tpu.memory_space<vmem>>
    %dma_start3A_466 = arith.constant 20480 : i32
    %dma_start3A_467 = arith.constant 0 : i32
    %dma_start3A_468 = tpu.memref_slice %arg1[%dma_start3A_457, %dma_start3A_466, %dma_start3A_467] : memref<1x32768x64xf32, #tpu.memory_space<any>> -> memref<1x2048x64xf32, #tpu.memory_space<any>>
    %dma_start3A_469 = tpu.memref_squeeze %dma_start3A_468 : memref<1x2048x64xf32, #tpu.memory_space<any>> -> memref<2048x64xf32, #tpu.memory_space<any>>
    tpu.enqueue_dma source(%dma_start3A_469 : memref<2048x64xf32, #tpu.memory_space<any>>) target(%dma_start3A_465 : memref<2048x64xf32, #tpu.memory_space<vmem>>) target_semaphore(%dma_start3A_461 : memref<!tpu.dma_semaphore, #tpu.memory_space<semaphore_mem>>)
    %dma_wait3A_470 = arith.constant 0 : i32
    %dma_wait3A_471 = arith.constant 3 : i32
    %dma_wait3A_472 = arith.constant 3 : i32
    %dma_wait3A_473 = tpu.memref_slice %arg5[%dma_wait3A_472] : memref<4x!tpu.dma_semaphore, #tpu.memory_space<semaphore_mem>> -> memref<1x!tpu.dma_semaphore, #tpu.memory_space<semaphore_mem>>
    %dma_wait3A_474 = tpu.memref_squeeze %dma_wait3A_473 : memref<1x!tpu.dma_semaphore, #tpu.memory_space<semaphore_mem>> -> memref<!tpu.dma_semaphore, #tpu.memory_space<semaphore_mem>>
    %dma_wait3A_475 = arith.constant 0 : i32
    %dma_wait3A_476 = arith.constant 0 : i32
    %dma_wait3A_477 = tpu.memref_slice %arg3[%dma_wait3A_471, %dma_wait3A_475, %dma_wait3A_476] : memref<4x2048x64xf32, #tpu.memory_space<vmem>> -> memref<1x2048x64xf32, #tpu.memory_space<vmem>>
    %dma_wait3A_478 = tpu.memref_squeeze %dma_wait3A_477 : memref<1x2048x64xf32, #tpu.memory_space<vmem>> -> memref<2048x64xf32, #tpu.memory_space<vmem>>
    %dma_wait3A_479 = arith.constant 14336 : i32
    %dma_wait3A_480 = arith.constant 0 : i32
    %dma_wait3A_481 = tpu.memref_slice %arg1[%dma_wait3A_470, %dma_wait3A_479, %dma_wait3A_480] : memref<1x32768x64xf32, #tpu.memory_space<any>> -> memref<1x2048x64xf32, #tpu.memory_space<any>>
    %dma_wait3A_482 = tpu.memref_squeeze %dma_wait3A_481 : memref<1x2048x64xf32, #tpu.memory_space<any>> -> memref<2048x64xf32, #tpu.memory_space<any>>
    tpu.wait_dma2 semaphore(%dma_wait3A_474 : memref<!tpu.dma_semaphore, #tpu.memory_space<semaphore_mem>>) src(%dma_wait3A_482 : memref<2048x64xf32, #tpu.memory_space<any>>) dst(%dma_wait3A_478 : memref<2048x64xf32, #tpu.memory_space<vmem>>)
    %dma_wait3A_483 = arith.constant 3 : i32
    %dma_wait3A_484 = arith.constant 3 : i32
    %dma_wait3A_485 = tpu.memref_slice %arg6[%dma_wait3A_484] : memref<4x!tpu.dma_semaphore, #tpu.memory_space<semaphore_mem>> -> memref<1x!tpu.dma_semaphore, #tpu.memory_space<semaphore_mem>>
    %dma_wait3A_486 = tpu.memref_squeeze %dma_wait3A_485 : memref<1x!tpu.dma_semaphore, #tpu.memory_space<semaphore_mem>> -> memref<!tpu.dma_semaphore, #tpu.memory_space<semaphore_mem>>
    %dma_wait3A_487 = arith.constant 6144 : i32
    %dma_wait3A_488 = arith.constant 0 : i32
    %dma_wait3A_489 = tpu.memref_slice %arg2[%dma_wait3A_487, %dma_wait3A_488] : memref<32768x64xf32, #tpu.memory_space<any>> -> memref<2048x64xf32, #tpu.memory_space<any>>
    %dma_wait3A_490 = arith.constant 0 : i32
    %dma_wait3A_491 = arith.constant 0 : i32
    %dma_wait3A_492 = tpu.memref_slice %arg4[%dma_wait3A_483, %dma_wait3A_490, %dma_wait3A_491] : memref<4x2048x64xf32, #tpu.memory_space<vmem>> -> memref<1x2048x64xf32, #tpu.memory_space<vmem>>
    %dma_wait3A_493 = tpu.memref_squeeze %dma_wait3A_492 : memref<1x2048x64xf32, #tpu.memory_space<vmem>> -> memref<2048x64xf32, #tpu.memory_space<vmem>>
    tpu.wait_dma2 semaphore(%dma_wait3A_486 : memref<!tpu.dma_semaphore, #tpu.memory_space<semaphore_mem>>) src(%dma_wait3A_493 : memref<2048x64xf32, #tpu.memory_space<vmem>>) dst(%dma_wait3A_489 : memref<2048x64xf32, #tpu.memory_space<any>>)
    %get3A_494 = arith.constant 3 : index
    %get3A_495 = arith.constant 0 : index
    %get3A_496 = arith.constant 0 : index
    %get3A_497 = vector.load %arg3[%get3A_494, %get3A_495, %get3A_496] : memref<4x2048x64xf32, #tpu.memory_space<vmem>>, vector<1x2048x64xf32>
    %get3A_498 = vector.shape_cast %get3A_497 : vector<1x2048x64xf32> to vector<2048x64xf32>
    %mul3A_499 = vector.broadcast %get3A_0 : f32 to vector<2048x64xf32>
    %mul3A_500 = arith.mulf %get3A_498, %mul3A_499 : vector<2048x64xf32>
    %exp3A_501 = math.exp %mul3A_500 : vector<2048x64xf32>
    %reduce_sum3A_502 = arith.constant dense<0.000000e+00> : vector<2048xf32>
    %reduce_sum3A_503 = vector.multi_reduction <add>, %exp3A_501, %reduce_sum3A_502 [1] : vector<2048x64xf32> to vector<2048xf32>
    %broadcast_in_dim3A_504 = vector.shape_cast %reduce_sum3A_503 : vector<2048xf32> to vector<2048x1xf32>
    %div3A_505 = vector.broadcast %broadcast_in_dim3A_504 : vector<2048x1xf32> to vector<2048x64xf32>
    %div3A_506 = arith.divf %exp3A_501, %div3A_505 : vector<2048x64xf32>
    %swap3A_507 = arith.constant 3 : index
    %swap3A_508 = arith.constant 0 : index
    %swap3A_509 = arith.constant 0 : index
    %swap3A_510 = vector.load %arg4[%swap3A_507, %swap3A_508, %swap3A_509] : memref<4x2048x64xf32, #tpu.memory_space<vmem>>, vector<1x2048x64xf32>
    %swap3A_511 = vector.shape_cast %swap3A_510 : vector<1x2048x64xf32> to vector<2048x64xf32>
    %swap3A_512 = vector.shape_cast %div3A_506 : vector<2048x64xf32> to vector<1x2048x64xf32>
    tpu.vector_store %arg4[%swap3A_507, %swap3A_508, %swap3A_509], %swap3A_512 {strides = array<i32>} : memref<4x2048x64xf32, #tpu.memory_space<vmem>>, vector<1x2048x64xf32>,
    %dma_start3A_513 = arith.constant 3 : i32
    %dma_start3A_514 = arith.constant 3 : i32
    %dma_start3A_515 = tpu.memref_slice %arg6[%dma_start3A_514] : memref<4x!tpu.dma_semaphore, #tpu.memory_space<semaphore_mem>> -> memref<1x!tpu.dma_semaphore, #tpu.memory_space<semaphore_mem>>
    %dma_start3A_516 = tpu.memref_squeeze %dma_start3A_515 : memref<1x!tpu.dma_semaphore, #tpu.memory_space<semaphore_mem>> -> memref<!tpu.dma_semaphore, #tpu.memory_space<semaphore_mem>>
    %dma_start3A_517 = arith.constant 14336 : i32
    %dma_start3A_518 = arith.constant 0 : i32
    %dma_start3A_519 = tpu.memref_slice %arg2[%dma_start3A_517, %dma_start3A_518] : memref<32768x64xf32, #tpu.memory_space<any>> -> memref<2048x64xf32, #tpu.memory_space<any>>
    %dma_start3A_520 = arith.constant 0 : i32
    %dma_start3A_521 = arith.constant 0 : i32
    %dma_start3A_522 = tpu.memref_slice %arg4[%dma_start3A_513, %dma_start3A_520, %dma_start3A_521] : memref<4x2048x64xf32, #tpu.memory_space<vmem>> -> memref<1x2048x64xf32, #tpu.memory_space<vmem>>
    %dma_start3A_523 = tpu.memref_squeeze %dma_start3A_522 : memref<1x2048x64xf32, #tpu.memory_space<vmem>> -> memref<2048x64xf32, #tpu.memory_space<vmem>>
    tpu.enqueue_dma source(%dma_start3A_523 : memref<2048x64xf32, #tpu.memory_space<vmem>>) target(%dma_start3A_519 : memref<2048x64xf32, #tpu.memory_space<any>>) target_semaphore(%dma_start3A_516 : memref<!tpu.dma_semaphore, #tpu.memory_space<semaphore_mem>>)
    %dma_start3A_524 = arith.constant 0 : i32
    %dma_start3A_525 = arith.constant 3 : i32
    %dma_start3A_526 = arith.constant 3 : i32
    %dma_start3A_527 = tpu.memref_slice %arg5[%dma_start3A_526] : memref<4x!tpu.dma_semaphore, #tpu.memory_space<semaphore_mem>> -> memref<1x!tpu.dma_semaphore, #tpu.memory_space<semaphore_mem>>
    %dma_start3A_528 = tpu.memref_squeeze %dma_start3A_527 : memref<1x!tpu.dma_semaphore, #tpu.memory_space<semaphore_mem>> -> memref<!tpu.dma_semaphore, #tpu.memory_space<semaphore_mem>>
    %dma_start3A_529 = arith.constant 0 : i32
    %dma_start3A_530 = arith.constant 0 : i32
    %dma_start3A_531 = tpu.memref_slice %arg3[%dma_start3A_525, %dma_start3A_529, %dma_start3A_530] : memref<4x2048x64xf32, #tpu.memory_space<vmem>> -> memref<1x2048x64xf32, #tpu.memory_space<vmem>>
    %dma_start3A_532 = tpu.memref_squeeze %dma_start3A_531 : memref<1x2048x64xf32, #tpu.memory_space<vmem>> -> memref<2048x64xf32, #tpu.memory_space<vmem>>
    %dma_start3A_533 = arith.constant 22528 : i32
    %dma_start3A_534 = arith.constant 0 : i32
    %dma_start3A_535 = tpu.memref_slice %arg1[%dma_start3A_524, %dma_start3A_533, %dma_start3A_534] : memref<1x32768x64xf32, #tpu.memory_space<any>> -> memref<1x2048x64xf32, #tpu.memory_space<any>>
    %dma_start3A_536 = tpu.memref_squeeze %dma_start3A_535 : memref<1x2048x64xf32, #tpu.memory_space<any>> -> memref<2048x64xf32, #tpu.memory_space<any>>
    tpu.enqueue_dma source(%dma_start3A_536 : memref<2048x64xf32, #tpu.memory_space<any>>) target(%dma_start3A_532 : memref<2048x64xf32, #tpu.memory_space<vmem>>) target_semaphore(%dma_start3A_528 : memref<!tpu.dma_semaphore, #tpu.memory_space<semaphore_mem>>)
    %dma_wait3A_537 = arith.constant 0 : i32
    %dma_wait3A_538 = arith.constant 0 : i32
    %dma_wait3A_539 = arith.constant 0 : i32
    %dma_wait3A_540 = tpu.memref_slice %arg5[%dma_wait3A_539] : memref<4x!tpu.dma_semaphore, #tpu.memory_space<semaphore_mem>> -> memref<1x!tpu.dma_semaphore, #tpu.memory_space<semaphore_mem>>
    %dma_wait3A_541 = tpu.memref_squeeze %dma_wait3A_540 : memref<1x!tpu.dma_semaphore, #tpu.memory_space<semaphore_mem>> -> memref<!tpu.dma_semaphore, #tpu.memory_space<semaphore_mem>>
    %dma_wait3A_542 = arith.constant 0 : i32
    %dma_wait3A_543 = arith.constant 0 : i32
    %dma_wait3A_544 = tpu.memref_slice %arg3[%dma_wait3A_538, %dma_wait3A_542, %dma_wait3A_543] : memref<4x2048x64xf32, #tpu.memory_space<vmem>> -> memref<1x2048x64xf32, #tpu.memory_space<vmem>>
    %dma_wait3A_545 = tpu.memref_squeeze %dma_wait3A_544 : memref<1x2048x64xf32, #tpu.memory_space<vmem>> -> memref<2048x64xf32, #tpu.memory_space<vmem>>
    %dma_wait3A_546 = arith.constant 16384 : i32
    %dma_wait3A_547 = arith.constant 0 : i32
    %dma_wait3A_548 = tpu.memref_slice %arg1[%dma_wait3A_537, %dma_wait3A_546, %dma_wait3A_547] : memref<1x32768x64xf32, #tpu.memory_space<any>> -> memref<1x2048x64xf32, #tpu.memory_space<any>>
    %dma_wait3A_549 = tpu.memref_squeeze %dma_wait3A_548 : memref<1x2048x64xf32, #tpu.memory_space<any>> -> memref<2048x64xf32, #tpu.memory_space<any>>
    tpu.wait_dma2 semaphore(%dma_wait3A_541 : memref<!tpu.dma_semaphore, #tpu.memory_space<semaphore_mem>>) src(%dma_wait3A_549 : memref<2048x64xf32, #tpu.memory_space<any>>) dst(%dma_wait3A_545 : memref<2048x64xf32, #tpu.memory_space<vmem>>)
    %dma_wait3A_550 = arith.constant 0 : i32
    %dma_wait3A_551 = arith.constant 0 : i32
    %dma_wait3A_552 = tpu.memref_slice %arg6[%dma_wait3A_551] : memref<4x!tpu.dma_semaphore, #tpu.memory_space<semaphore_mem>> -> memref<1x!tpu.dma_semaphore, #tpu.memory_space<semaphore_mem>>
    %dma_wait3A_553 = tpu.memref_squeeze %dma_wait3A_552 : memref<1x!tpu.dma_semaphore, #tpu.memory_space<semaphore_mem>> -> memref<!tpu.dma_semaphore, #tpu.memory_space<semaphore_mem>>
    %dma_wait3A_554 = arith.constant 8192 : i32
    %dma_wait3A_555 = arith.constant 0 : i32
    %dma_wait3A_556 = tpu.memref_slice %arg2[%dma_wait3A_554, %dma_wait3A_555] : memref<32768x64xf32, #tpu.memory_space<any>> -> memref<2048x64xf32, #tpu.memory_space<any>>
    %dma_wait3A_557 = arith.constant 0 : i32
    %dma_wait3A_558 = arith.constant 0 : i32
    %dma_wait3A_559 = tpu.memref_slice %arg4[%dma_wait3A_550, %dma_wait3A_557, %dma_wait3A_558] : memref<4x2048x64xf32, #tpu.memory_space<vmem>> -> memref<1x2048x64xf32, #tpu.memory_space<vmem>>
    %dma_wait3A_560 = tpu.memref_squeeze %dma_wait3A_559 : memref<1x2048x64xf32, #tpu.memory_space<vmem>> -> memref<2048x64xf32, #tpu.memory_space<vmem>>
    tpu.wait_dma2 semaphore(%dma_wait3A_553 : memref<!tpu.dma_semaphore, #tpu.memory_space<semaphore_mem>>) src(%dma_wait3A_560 : memref<2048x64xf32, #tpu.memory_space<vmem>>) dst(%dma_wait3A_556 : memref<2048x64xf32, #tpu.memory_space<any>>)
    %get3A_561 = arith.constant 0 : index
    %get3A_562 = arith.constant 0 : index
    %get3A_563 = arith.constant 0 : index
    %get3A_564 = vector.load %arg3[%get3A_561, %get3A_562, %get3A_563] : memref<4x2048x64xf32, #tpu.memory_space<vmem>>, vector<1x2048x64xf32>
    %get3A_565 = vector.shape_cast %get3A_564 : vector<1x2048x64xf32> to vector<2048x64xf32>
    %mul3A_566 = vector.broadcast %get3A_0 : f32 to vector<2048x64xf32>
    %mul3A_567 = arith.mulf %get3A_565, %mul3A_566 : vector<2048x64xf32>
    %exp3A_568 = math.exp %mul3A_567 : vector<2048x64xf32>
    %reduce_sum3A_569 = arith.constant dense<0.000000e+00> : vector<2048xf32>
    %reduce_sum3A_570 = vector.multi_reduction <add>, %exp3A_568, %reduce_sum3A_569 [1] : vector<2048x64xf32> to vector<2048xf32>
    %broadcast_in_dim3A_571 = vector.shape_cast %reduce_sum3A_570 : vector<2048xf32> to vector<2048x1xf32>
    %div3A_572 = vector.broadcast %broadcast_in_dim3A_571 : vector<2048x1xf32> to vector<2048x64xf32>
    %div3A_573 = arith.divf %exp3A_568, %div3A_572 : vector<2048x64xf32>
    %swap3A_574 = arith.constant 0 : index
    %swap3A_575 = arith.constant 0 : index
    %swap3A_576 = arith.constant 0 : index
    %swap3A_577 = vector.load %arg4[%swap3A_574, %swap3A_575, %swap3A_576] : memref<4x2048x64xf32, #tpu.memory_space<vmem>>, vector<1x2048x64xf32>
    %swap3A_578 = vector.shape_cast %swap3A_577 : vector<1x2048x64xf32> to vector<2048x64xf32>
    %swap3A_579 = vector.shape_cast %div3A_573 : vector<2048x64xf32> to vector<1x2048x64xf32>
    tpu.vector_store %arg4[%swap3A_574, %swap3A_575, %swap3A_576], %swap3A_579 {strides = array<i32>} : memref<4x2048x64xf32, #tpu.memory_space<vmem>>, vector<1x2048x64xf32>,
    %dma_start3A_580 = arith.constant 0 : i32
    %dma_start3A_581 = arith.constant 0 : i32
    %dma_start3A_582 = tpu.memref_slice %arg6[%dma_start3A_581] : memref<4x!tpu.dma_semaphore, #tpu.memory_space<semaphore_mem>> -> memref<1x!tpu.dma_semaphore, #tpu.memory_space<semaphore_mem>>
    %dma_start3A_583 = tpu.memref_squeeze %dma_start3A_582 : memref<1x!tpu.dma_semaphore, #tpu.memory_space<semaphore_mem>> -> memref<!tpu.dma_semaphore, #tpu.memory_space<semaphore_mem>>
    %dma_start3A_584 = arith.constant 16384 : i32
    %dma_start3A_585 = arith.constant 0 : i32
    %dma_start3A_586 = tpu.memref_slice %arg2[%dma_start3A_584, %dma_start3A_585] : memref<32768x64xf32, #tpu.memory_space<any>> -> memref<2048x64xf32, #tpu.memory_space<any>>
    %dma_start3A_587 = arith.constant 0 : i32
    %dma_start3A_588 = arith.constant 0 : i32
    %dma_start3A_589 = tpu.memref_slice %arg4[%dma_start3A_580, %dma_start3A_587, %dma_start3A_588] : memref<4x2048x64xf32, #tpu.memory_space<vmem>> -> memref<1x2048x64xf32, #tpu.memory_space<vmem>>
    %dma_start3A_590 = tpu.memref_squeeze %dma_start3A_589 : memref<1x2048x64xf32, #tpu.memory_space<vmem>> -> memref<2048x64xf32, #tpu.memory_space<vmem>>
    tpu.enqueue_dma source(%dma_start3A_590 : memref<2048x64xf32, #tpu.memory_space<vmem>>) target(%dma_start3A_586 : memref<2048x64xf32, #tpu.memory_space<any>>) target_semaphore(%dma_start3A_583 : memref<!tpu.dma_semaphore, #tpu.memory_space<semaphore_mem>>)
    %dma_wait3A_591 = arith.constant 0 : i32
    %dma_wait3A_592 = arith.constant 1 : i32
    %dma_wait3A_593 = arith.constant 1 : i32
    %dma_wait3A_594 = tpu.memref_slice %arg5[%dma_wait3A_593] : memref<4x!tpu.dma_semaphore, #tpu.memory_space<semaphore_mem>> -> memref<1x!tpu.dma_semaphore, #tpu.memory_space<semaphore_mem>>
    %dma_wait3A_595 = tpu.memref_squeeze %dma_wait3A_594 : memref<1x!tpu.dma_semaphore, #tpu.memory_space<semaphore_mem>> -> memref<!tpu.dma_semaphore, #tpu.memory_space<semaphore_mem>>
    %dma_wait3A_596 = arith.constant 0 : i32
    %dma_wait3A_597 = arith.constant 0 : i32
    %dma_wait3A_598 = tpu.memref_slice %arg3[%dma_wait3A_592, %dma_wait3A_596, %dma_wait3A_597] : memref<4x2048x64xf32, #tpu.memory_space<vmem>> -> memref<1x2048x64xf32, #tpu.memory_space<vmem>>
    %dma_wait3A_599 = tpu.memref_squeeze %dma_wait3A_598 : memref<1x2048x64xf32, #tpu.memory_space<vmem>> -> memref<2048x64xf32, #tpu.memory_space<vmem>>
    %dma_wait3A_600 = arith.constant 18432 : i32
    %dma_wait3A_601 = arith.constant 0 : i32
    %dma_wait3A_602 = tpu.memref_slice %arg1[%dma_wait3A_591, %dma_wait3A_600, %dma_wait3A_601] : memref<1x32768x64xf32, #tpu.memory_space<any>> -> memref<1x2048x64xf32, #tpu.memory_space<any>>
    %dma_wait3A_603 = tpu.memref_squeeze %dma_wait3A_602 : memref<1x2048x64xf32, #tpu.memory_space<any>> -> memref<2048x64xf32, #tpu.memory_space<any>>
    tpu.wait_dma2 semaphore(%dma_wait3A_595 : memref<!tpu.dma_semaphore, #tpu.memory_space<semaphore_mem>>) src(%dma_wait3A_603 : memref<2048x64xf32, #tpu.memory_space<any>>) dst(%dma_wait3A_599 : memref<2048x64xf32, #tpu.memory_space<vmem>>)
    %dma_wait3A_604 = arith.constant 1 : i32
    %dma_wait3A_605 = arith.constant 1 : i32
    %dma_wait3A_606 = tpu.memref_slice %arg6[%dma_wait3A_605] : memref<4x!tpu.dma_semaphore, #tpu.memory_space<semaphore_mem>> -> memref<1x!tpu.dma_semaphore, #tpu.memory_space<semaphore_mem>>
    %dma_wait3A_607 = tpu.memref_squeeze %dma_wait3A_606 : memref<1x!tpu.dma_semaphore, #tpu.memory_space<semaphore_mem>> -> memref<!tpu.dma_semaphore, #tpu.memory_space<semaphore_mem>>
    %dma_wait3A_608 = arith.constant 10240 : i32
    %dma_wait3A_609 = arith.constant 0 : i32
    %dma_wait3A_610 = tpu.memref_slice %arg2[%dma_wait3A_608, %dma_wait3A_609] : memref<32768x64xf32, #tpu.memory_space<any>> -> memref<2048x64xf32, #tpu.memory_space<any>>
    %dma_wait3A_611 = arith.constant 0 : i32
    %dma_wait3A_612 = arith.constant 0 : i32
    %dma_wait3A_613 = tpu.memref_slice %arg4[%dma_wait3A_604, %dma_wait3A_611, %dma_wait3A_612] : memref<4x2048x64xf32, #tpu.memory_space<vmem>> -> memref<1x2048x64xf32, #tpu.memory_space<vmem>>
    %dma_wait3A_614 = tpu.memref_squeeze %dma_wait3A_613 : memref<1x2048x64xf32, #tpu.memory_space<vmem>> -> memref<2048x64xf32, #tpu.memory_space<vmem>>
    tpu.wait_dma2 semaphore(%dma_wait3A_607 : memref<!tpu.dma_semaphore, #tpu.memory_space<semaphore_mem>>) src(%dma_wait3A_614 : memref<2048x64xf32, #tpu.memory_space<vmem>>) dst(%dma_wait3A_610 : memref<2048x64xf32, #tpu.memory_space<any>>)
    %get3A_615 = arith.constant 1 : index
    %get3A_616 = arith.constant 0 : index
    %get3A_617 = arith.constant 0 : index
    %get3A_618 = vector.load %arg3[%get3A_615, %get3A_616, %get3A_617] : memref<4x2048x64xf32, #tpu.memory_space<vmem>>, vector<1x2048x64xf32>
    %get3A_619 = vector.shape_cast %get3A_618 : vector<1x2048x64xf32> to vector<2048x64xf32>
    %mul3A_620 = vector.broadcast %get3A_0 : f32 to vector<2048x64xf32>
    %mul3A_621 = arith.mulf %get3A_619, %mul3A_620 : vector<2048x64xf32>
    %exp3A_622 = math.exp %mul3A_621 : vector<2048x64xf32>
    %reduce_sum3A_623 = arith.constant dense<0.000000e+00> : vector<2048xf32>
    %reduce_sum3A_624 = vector.multi_reduction <add>, %exp3A_622, %reduce_sum3A_623 [1] : vector<2048x64xf32> to vector<2048xf32>
    %broadcast_in_dim3A_625 = vector.shape_cast %reduce_sum3A_624 : vector<2048xf32> to vector<2048x1xf32>
    %div3A_626 = vector.broadcast %broadcast_in_dim3A_625 : vector<2048x1xf32> to vector<2048x64xf32>
    %div3A_627 = arith.divf %exp3A_622, %div3A_626 : vector<2048x64xf32>
    %swap3A_628 = arith.constant 1 : index
    %swap3A_629 = arith.constant 0 : index
    %swap3A_630 = arith.constant 0 : index
    %swap3A_631 = vector.load %arg4[%swap3A_628, %swap3A_629, %swap3A_630] : memref<4x2048x64xf32, #tpu.memory_space<vmem>>, vector<1x2048x64xf32>
    %swap3A_632 = vector.shape_cast %swap3A_631 : vector<1x2048x64xf32> to vector<2048x64xf32>
    %swap3A_633 = vector.shape_cast %div3A_627 : vector<2048x64xf32> to vector<1x2048x64xf32>
    tpu.vector_store %arg4[%swap3A_628, %swap3A_629, %swap3A_630], %swap3A_633 {strides = array<i32>} : memref<4x2048x64xf32, #tpu.memory_space<vmem>>, vector<1x2048x64xf32>,
    %dma_start3A_634 = arith.constant 1 : i32
    %dma_start3A_635 = arith.constant 1 : i32
    %dma_start3A_636 = tpu.memref_slice %arg6[%dma_start3A_635] : memref<4x!tpu.dma_semaphore, #tpu.memory_space<semaphore_mem>> -> memref<1x!tpu.dma_semaphore, #tpu.memory_space<semaphore_mem>>
    %dma_start3A_637 = tpu.memref_squeeze %dma_start3A_636 : memref<1x!tpu.dma_semaphore, #tpu.memory_space<semaphore_mem>> -> memref<!tpu.dma_semaphore, #tpu.memory_space<semaphore_mem>>
    %dma_start3A_638 = arith.constant 18432 : i32
    %dma_start3A_639 = arith.constant 0 : i32
    %dma_start3A_640 = tpu.memref_slice %arg2[%dma_start3A_638, %dma_start3A_639] : memref<32768x64xf32, #tpu.memory_space<any>> -> memref<2048x64xf32, #tpu.memory_space<any>>
    %dma_start3A_641 = arith.constant 0 : i32
    %dma_start3A_642 = arith.constant 0 : i32
    %dma_start3A_643 = tpu.memref_slice %arg4[%dma_start3A_634, %dma_start3A_641, %dma_start3A_642] : memref<4x2048x64xf32, #tpu.memory_space<vmem>> -> memref<1x2048x64xf32, #tpu.memory_space<vmem>>
    %dma_start3A_644 = tpu.memref_squeeze %dma_start3A_643 : memref<1x2048x64xf32, #tpu.memory_space<vmem>> -> memref<2048x64xf32, #tpu.memory_space<vmem>>
    tpu.enqueue_dma source(%dma_start3A_644 : memref<2048x64xf32, #tpu.memory_space<vmem>>) target(%dma_start3A_640 : memref<2048x64xf32, #tpu.memory_space<any>>) target_semaphore(%dma_start3A_637 : memref<!tpu.dma_semaphore, #tpu.memory_space<semaphore_mem>>)
    %dma_wait3A_645 = arith.constant 0 : i32
    %dma_wait3A_646 = arith.constant 2 : i32
    %dma_wait3A_647 = arith.constant 2 : i32
    %dma_wait3A_648 = tpu.memref_slice %arg5[%dma_wait3A_647] : memref<4x!tpu.dma_semaphore, #tpu.memory_space<semaphore_mem>> -> memref<1x!tpu.dma_semaphore, #tpu.memory_space<semaphore_mem>>
    %dma_wait3A_649 = tpu.memref_squeeze %dma_wait3A_648 : memref<1x!tpu.dma_semaphore, #tpu.memory_space<semaphore_mem>> -> memref<!tpu.dma_semaphore, #tpu.memory_space<semaphore_mem>>
    %dma_wait3A_650 = arith.constant 0 : i32
    %dma_wait3A_651 = arith.constant 0 : i32
    %dma_wait3A_652 = tpu.memref_slice %arg3[%dma_wait3A_646, %dma_wait3A_650, %dma_wait3A_651] : memref<4x2048x64xf32, #tpu.memory_space<vmem>> -> memref<1x2048x64xf32, #tpu.memory_space<vmem>>
    %dma_wait3A_653 = tpu.memref_squeeze %dma_wait3A_652 : memref<1x2048x64xf32, #tpu.memory_space<vmem>> -> memref<2048x64xf32, #tpu.memory_space<vmem>>
    %dma_wait3A_654 = arith.constant 20480 : i32
    %dma_wait3A_655 = arith.constant 0 : i32
    %dma_wait3A_656 = tpu.memref_slice %arg1[%dma_wait3A_645, %dma_wait3A_654, %dma_wait3A_655] : memref<1x32768x64xf32, #tpu.memory_space<any>> -> memref<1x2048x64xf32, #tpu.memory_space<any>>
    %dma_wait3A_657 = tpu.memref_squeeze %dma_wait3A_656 : memref<1x2048x64xf32, #tpu.memory_space<any>> -> memref<2048x64xf32, #tpu.memory_space<any>>
    tpu.wait_dma2 semaphore(%dma_wait3A_649 : memref<!tpu.dma_semaphore, #tpu.memory_space<semaphore_mem>>) src(%dma_wait3A_657 : memref<2048x64xf32, #tpu.memory_space<any>>) dst(%dma_wait3A_653 : memref<2048x64xf32, #tpu.memory_space<vmem>>)
    %dma_wait3A_658 = arith.constant 2 : i32
    %dma_wait3A_659 = arith.constant 2 : i32
    %dma_wait3A_660 = tpu.memref_slice %arg6[%dma_wait3A_659] : memref<4x!tpu.dma_semaphore, #tpu.memory_space<semaphore_mem>> -> memref<1x!tpu.dma_semaphore, #tpu.memory_space<semaphore_mem>>
    %dma_wait3A_661 = tpu.memref_squeeze %dma_wait3A_660 : memref<1x!tpu.dma_semaphore, #tpu.memory_space<semaphore_mem>> -> memref<!tpu.dma_semaphore, #tpu.memory_space<semaphore_mem>>
    %dma_wait3A_662 = arith.constant 12288 : i32
    %dma_wait3A_663 = arith.constant 0 : i32
    %dma_wait3A_664 = tpu.memref_slice %arg2[%dma_wait3A_662, %dma_wait3A_663] : memref<32768x64xf32, #tpu.memory_space<any>> -> memref<2048x64xf32, #tpu.memory_space<any>>
    %dma_wait3A_665 = arith.constant 0 : i32
    %dma_wait3A_666 = arith.constant 0 : i32
    %dma_wait3A_667 = tpu.memref_slice %arg4[%dma_wait3A_658, %dma_wait3A_665, %dma_wait3A_666] : memref<4x2048x64xf32, #tpu.memory_space<vmem>> -> memref<1x2048x64xf32, #tpu.memory_space<vmem>>
    %dma_wait3A_668 = tpu.memref_squeeze %dma_wait3A_667 : memref<1x2048x64xf32, #tpu.memory_space<vmem>> -> memref<2048x64xf32, #tpu.memory_space<vmem>>
    tpu.wait_dma2 semaphore(%dma_wait3A_661 : memref<!tpu.dma_semaphore, #tpu.memory_space<semaphore_mem>>) src(%dma_wait3A_668 : memref<2048x64xf32, #tpu.memory_space<vmem>>) dst(%dma_wait3A_664 : memref<2048x64xf32, #tpu.memory_space<any>>)
    %get3A_669 = arith.constant 2 : index
    %get3A_670 = arith.constant 0 : index
    %get3A_671 = arith.constant 0 : index
    %get3A_672 = vector.load %arg3[%get3A_669, %get3A_670, %get3A_671] : memref<4x2048x64xf32, #tpu.memory_space<vmem>>, vector<1x2048x64xf32>
    %get3A_673 = vector.shape_cast %get3A_672 : vector<1x2048x64xf32> to vector<2048x64xf32>
    %mul3A_674 = vector.broadcast %get3A_0 : f32 to vector<2048x64xf32>
    %mul3A_675 = arith.mulf %get3A_673, %mul3A_674 : vector<2048x64xf32>
    %exp3A_676 = math.exp %mul3A_675 : vector<2048x64xf32>
    %reduce_sum3A_677 = arith.constant dense<0.000000e+00> : vector<2048xf32>
    %reduce_sum3A_678 = vector.multi_reduction <add>, %exp3A_676, %reduce_sum3A_677 [1] : vector<2048x64xf32> to vector<2048xf32>
    %broadcast_in_dim3A_679 = vector.shape_cast %reduce_sum3A_678 : vector<2048xf32> to vector<2048x1xf32>
    %div3A_680 = vector.broadcast %broadcast_in_dim3A_679 : vector<2048x1xf32> to vector<2048x64xf32>
    %div3A_681 = arith.divf %exp3A_676, %div3A_680 : vector<2048x64xf32>
    %swap3A_682 = arith.constant 2 : index
    %swap3A_683 = arith.constant 0 : index
    %swap3A_684 = arith.constant 0 : index
    %swap3A_685 = vector.load %arg4[%swap3A_682, %swap3A_683, %swap3A_684] : memref<4x2048x64xf32, #tpu.memory_space<vmem>>, vector<1x2048x64xf32>
    %swap3A_686 = vector.shape_cast %swap3A_685 : vector<1x2048x64xf32> to vector<2048x64xf32>
    %swap3A_687 = vector.shape_cast %div3A_681 : vector<2048x64xf32> to vector<1x2048x64xf32>
    tpu.vector_store %arg4[%swap3A_682, %swap3A_683, %swap3A_684], %swap3A_687 {strides = array<i32>} : memref<4x2048x64xf32, #tpu.memory_space<vmem>>, vector<1x2048x64xf32>,
    %dma_start3A_688 = arith.constant 2 : i32
    %dma_start3A_689 = arith.constant 2 : i32
    %dma_start3A_690 = tpu.memref_slice %arg6[%dma_start3A_689] : memref<4x!tpu.dma_semaphore, #tpu.memory_space<semaphore_mem>> -> memref<1x!tpu.dma_semaphore, #tpu.memory_space<semaphore_mem>>
    %dma_start3A_691 = tpu.memref_squeeze %dma_start3A_690 : memref<1x!tpu.dma_semaphore, #tpu.memory_space<semaphore_mem>> -> memref<!tpu.dma_semaphore, #tpu.memory_space<semaphore_mem>>
    %dma_start3A_692 = arith.constant 20480 : i32
    %dma_start3A_693 = arith.constant 0 : i32
    %dma_start3A_694 = tpu.memref_slice %arg2[%dma_start3A_692, %dma_start3A_693] : memref<32768x64xf32, #tpu.memory_space<any>> -> memref<2048x64xf32, #tpu.memory_space<any>>
    %dma_start3A_695 = arith.constant 0 : i32
    %dma_start3A_696 = arith.constant 0 : i32
    %dma_start3A_697 = tpu.memref_slice %arg4[%dma_start3A_688, %dma_start3A_695, %dma_start3A_696] : memref<4x2048x64xf32, #tpu.memory_space<vmem>> -> memref<1x2048x64xf32, #tpu.memory_space<vmem>>
    %dma_start3A_698 = tpu.memref_squeeze %dma_start3A_697 : memref<1x2048x64xf32, #tpu.memory_space<vmem>> -> memref<2048x64xf32, #tpu.memory_space<vmem>>
    tpu.enqueue_dma source(%dma_start3A_698 : memref<2048x64xf32, #tpu.memory_space<vmem>>) target(%dma_start3A_694 : memref<2048x64xf32, #tpu.memory_space<any>>) target_semaphore(%dma_start3A_691 : memref<!tpu.dma_semaphore, #tpu.memory_space<semaphore_mem>>)
    %dma_wait3A_699 = arith.constant 0 : i32
    %dma_wait3A_700 = arith.constant 3 : i32
    %dma_wait3A_701 = arith.constant 3 : i32
    %dma_wait3A_702 = tpu.memref_slice %arg5[%dma_wait3A_701] : memref<4x!tpu.dma_semaphore, #tpu.memory_space<semaphore_mem>> -> memref<1x!tpu.dma_semaphore, #tpu.memory_space<semaphore_mem>>
    %dma_wait3A_703 = tpu.memref_squeeze %dma_wait3A_702 : memref<1x!tpu.dma_semaphore, #tpu.memory_space<semaphore_mem>> -> memref<!tpu.dma_semaphore, #tpu.memory_space<semaphore_mem>>
    %dma_wait3A_704 = arith.constant 0 : i32
    %dma_wait3A_705 = arith.constant 0 : i32
    %dma_wait3A_706 = tpu.memref_slice %arg3[%dma_wait3A_700, %dma_wait3A_704, %dma_wait3A_705] : memref<4x2048x64xf32, #tpu.memory_space<vmem>> -> memref<1x2048x64xf32, #tpu.memory_space<vmem>>
    %dma_wait3A_707 = tpu.memref_squeeze %dma_wait3A_706 : memref<1x2048x64xf32, #tpu.memory_space<vmem>> -> memref<2048x64xf32, #tpu.memory_space<vmem>>
    %dma_wait3A_708 = arith.constant 22528 : i32
    %dma_wait3A_709 = arith.constant 0 : i32
    %dma_wait3A_710 = tpu.memref_slice %arg1[%dma_wait3A_699, %dma_wait3A_708, %dma_wait3A_709] : memref<1x32768x64xf32, #tpu.memory_space<any>> -> memref<1x2048x64xf32, #tpu.memory_space<any>>
    %dma_wait3A_711 = tpu.memref_squeeze %dma_wait3A_710 : memref<1x2048x64xf32, #tpu.memory_space<any>> -> memref<2048x64xf32, #tpu.memory_space<any>>
    tpu.wait_dma2 semaphore(%dma_wait3A_703 : memref<!tpu.dma_semaphore, #tpu.memory_space<semaphore_mem>>) src(%dma_wait3A_711 : memref<2048x64xf32, #tpu.memory_space<any>>) dst(%dma_wait3A_707 : memref<2048x64xf32, #tpu.memory_space<vmem>>)
    %dma_wait3A_712 = arith.constant 3 : i32
    %dma_wait3A_713 = arith.constant 3 : i32
    %dma_wait3A_714 = tpu.memref_slice %arg6[%dma_wait3A_713] : memref<4x!tpu.dma_semaphore, #tpu.memory_space<semaphore_mem>> -> memref<1x!tpu.dma_semaphore, #tpu.memory_space<semaphore_mem>>
    %dma_wait3A_715 = tpu.memref_squeeze %dma_wait3A_714 : memref<1x!tpu.dma_semaphore, #tpu.memory_space<semaphore_mem>> -> memref<!tpu.dma_semaphore, #tpu.memory_space<semaphore_mem>>
    %dma_wait3A_716 = arith.constant 14336 : i32
    %dma_wait3A_717 = arith.constant 0 : i32
    %dma_wait3A_718 = tpu.memref_slice %arg2[%dma_wait3A_716, %dma_wait3A_717] : memref<32768x64xf32, #tpu.memory_space<any>> -> memref<2048x64xf32, #tpu.memory_space<any>>
    %dma_wait3A_719 = arith.constant 0 : i32
    %dma_wait3A_720 = arith.constant 0 : i32
    %dma_wait3A_721 = tpu.memref_slice %arg4[%dma_wait3A_712, %dma_wait3A_719, %dma_wait3A_720] : memref<4x2048x64xf32, #tpu.memory_space<vmem>> -> memref<1x2048x64xf32, #tpu.memory_space<vmem>>
    %dma_wait3A_722 = tpu.memref_squeeze %dma_wait3A_721 : memref<1x2048x64xf32, #tpu.memory_space<vmem>> -> memref<2048x64xf32, #tpu.memory_space<vmem>>
    tpu.wait_dma2 semaphore(%dma_wait3A_715 : memref<!tpu.dma_semaphore, #tpu.memory_space<semaphore_mem>>) src(%dma_wait3A_722 : memref<2048x64xf32, #tpu.memory_space<vmem>>) dst(%dma_wait3A_718 : memref<2048x64xf32, #tpu.memory_space<any>>)
    %get3A_723 = arith.constant 3 : index
    %get3A_724 = arith.constant 0 : index
    %get3A_725 = arith.constant 0 : index
    %get3A_726 = vector.load %arg3[%get3A_723, %get3A_724, %get3A_725] : memref<4x2048x64xf32, #tpu.memory_space<vmem>>, vector<1x2048x64xf32>
    %get3A_727 = vector.shape_cast %get3A_726 : vector<1x2048x64xf32> to vector<2048x64xf32>
    %mul3A_728 = vector.broadcast %get3A_0 : f32 to vector<2048x64xf32>
    %mul3A_729 = arith.mulf %get3A_727, %mul3A_728 : vector<2048x64xf32>
    %exp3A_730 = math.exp %mul3A_729 : vector<2048x64xf32>
    %reduce_sum3A_731 = arith.constant dense<0.000000e+00> : vector<2048xf32>
    %reduce_sum3A_732 = vector.multi_reduction <add>, %exp3A_730, %reduce_sum3A_731 [1] : vector<2048x64xf32> to vector<2048xf32>
    %broadcast_in_dim3A_733 = vector.shape_cast %reduce_sum3A_732 : vector<2048xf32> to vector<2048x1xf32>
    %div3A_734 = vector.broadcast %broadcast_in_dim3A_733 : vector<2048x1xf32> to vector<2048x64xf32>
    %div3A_735 = arith.divf %exp3A_730, %div3A_734 : vector<2048x64xf32>
    %swap3A_736 = arith.constant 3 : index
    %swap3A_737 = arith.constant 0 : index
    %swap3A_738 = arith.constant 0 : index
    %swap3A_739 = vector.load %arg4[%swap3A_736, %swap3A_737, %swap3A_738] : memref<4x2048x64xf32, #tpu.memory_space<vmem>>, vector<1x2048x64xf32>
    %swap3A_740 = vector.shape_cast %swap3A_739 : vector<1x2048x64xf32> to vector<2048x64xf32>
    %swap3A_741 = vector.shape_cast %div3A_735 : vector<2048x64xf32> to vector<1x2048x64xf32>
    tpu.vector_store %arg4[%swap3A_736, %swap3A_737, %swap3A_738], %swap3A_741 {strides = array<i32>} : memref<4x2048x64xf32, #tpu.memory_space<vmem>>, vector<1x2048x64xf32>,
    %dma_start3A_742 = arith.constant 3 : i32
    %dma_start3A_743 = arith.constant 3 : i32
    %dma_start3A_744 = tpu.memref_slice %arg6[%dma_start3A_743] : memref<4x!tpu.dma_semaphore, #tpu.memory_space<semaphore_mem>> -> memref<1x!tpu.dma_semaphore, #tpu.memory_space<semaphore_mem>>
    %dma_start3A_745 = tpu.memref_squeeze %dma_start3A_744 : memref<1x!tpu.dma_semaphore, #tpu.memory_space<semaphore_mem>> -> memref<!tpu.dma_semaphore, #tpu.memory_space<semaphore_mem>>
    %dma_start3A_746 = arith.constant 22528 : i32
    %dma_start3A_747 = arith.constant 0 : i32
    %dma_start3A_748 = tpu.memref_slice %arg2[%dma_start3A_746, %dma_start3A_747] : memref<32768x64xf32, #tpu.memory_space<any>> -> memref<2048x64xf32, #tpu.memory_space<any>>
    %dma_start3A_749 = arith.constant 0 : i32
    %dma_start3A_750 = arith.constant 0 : i32
    %dma_start3A_751 = tpu.memref_slice %arg4[%dma_start3A_742, %dma_start3A_749, %dma_start3A_750] : memref<4x2048x64xf32, #tpu.memory_space<vmem>> -> memref<1x2048x64xf32, #tpu.memory_space<vmem>>
    %dma_start3A_752 = tpu.memref_squeeze %dma_start3A_751 : memref<1x2048x64xf32, #tpu.memory_space<vmem>> -> memref<2048x64xf32, #tpu.memory_space<vmem>>
    tpu.enqueue_dma source(%dma_start3A_752 : memref<2048x64xf32, #tpu.memory_space<vmem>>) target(%dma_start3A_748 : memref<2048x64xf32, #tpu.memory_space<any>>) target_semaphore(%dma_start3A_745 : memref<!tpu.dma_semaphore, #tpu.memory_space<semaphore_mem>>)
    %dma_wait3A_753 = arith.constant 0 : i32
    %dma_wait3A_754 = arith.constant 0 : i32
    %dma_wait3A_755 = tpu.memref_slice %arg6[%dma_wait3A_754] : memref<4x!tpu.dma_semaphore, #tpu.memory_space<semaphore_mem>> -> memref<1x!tpu.dma_semaphore, #tpu.memory_space<semaphore_mem>>
    %dma_wait3A_756 = tpu.memref_squeeze %dma_wait3A_755 : memref<1x!tpu.dma_semaphore, #tpu.memory_space<semaphore_mem>> -> memref<!tpu.dma_semaphore, #tpu.memory_space<semaphore_mem>>
    %dma_wait3A_757 = arith.constant 16384 : i32
    %dma_wait3A_758 = arith.constant 0 : i32
    %dma_wait3A_759 = tpu.memref_slice %arg2[%dma_wait3A_757, %dma_wait3A_758] : memref<32768x64xf32, #tpu.memory_space<any>> -> memref<2048x64xf32, #tpu.memory_space<any>>
    %dma_wait3A_760 = arith.constant 0 : i32
    %dma_wait3A_761 = arith.constant 0 : i32
    %dma_wait3A_762 = tpu.memref_slice %arg4[%dma_wait3A_753, %dma_wait3A_760, %dma_wait3A_761] : memref<4x2048x64xf32, #tpu.memory_space<vmem>> -> memref<1x2048x64xf32, #tpu.memory_space<vmem>>
    %dma_wait3A_763 = tpu.memref_squeeze %dma_wait3A_762 : memref<1x2048x64xf32, #tpu.memory_space<vmem>> -> memref<2048x64xf32, #tpu.memory_space<vmem>>
    tpu.wait_dma2 semaphore(%dma_wait3A_756 : memref<!tpu.dma_semaphore, #tpu.memory_space<semaphore_mem>>) src(%dma_wait3A_763 : memref<2048x64xf32, #tpu.memory_space<vmem>>) dst(%dma_wait3A_759 : memref<2048x64xf32, #tpu.memory_space<any>>)
    %dma_wait3A_764 = arith.constant 1 : i32
    %dma_wait3A_765 = arith.constant 1 : i32
    %dma_wait3A_766 = tpu.memref_slice %arg6[%dma_wait3A_765] : memref<4x!tpu.dma_semaphore, #tpu.memory_space<semaphore_mem>> -> memref<1x!tpu.dma_semaphore, #tpu.memory_space<semaphore_mem>>
    %dma_wait3A_767 = tpu.memref_squeeze %dma_wait3A_766 : memref<1x!tpu.dma_semaphore, #tpu.memory_space<semaphore_mem>> -> memref<!tpu.dma_semaphore, #tpu.memory_space<semaphore_mem>>
    %dma_wait3A_768 = arith.constant 18432 : i32
    %dma_wait3A_769 = arith.constant 0 : i32
    %dma_wait3A_770 = tpu.memref_slice %arg2[%dma_wait3A_768, %dma_wait3A_769] : memref<32768x64xf32, #tpu.memory_space<any>> -> memref<2048x64xf32, #tpu.memory_space<any>>
    %dma_wait3A_771 = arith.constant 0 : i32
    %dma_wait3A_772 = arith.constant 0 : i32
    %dma_wait3A_773 = tpu.memref_slice %arg4[%dma_wait3A_764, %dma_wait3A_771, %dma_wait3A_772] : memref<4x2048x64xf32, #tpu.memory_space<vmem>> -> memref<1x2048x64xf32, #tpu.memory_space<vmem>>
    %dma_wait3A_774 = tpu.memref_squeeze %dma_wait3A_773 : memref<1x2048x64xf32, #tpu.memory_space<vmem>> -> memref<2048x64xf32, #tpu.memory_space<vmem>>
    tpu.wait_dma2 semaphore(%dma_wait3A_767 : memref<!tpu.dma_semaphore, #tpu.memory_space<semaphore_mem>>) src(%dma_wait3A_774 : memref<2048x64xf32, #tpu.memory_space<vmem>>) dst(%dma_wait3A_770 : memref<2048x64xf32, #tpu.memory_space<any>>)
    %dma_wait3A_775 = arith.constant 2 : i32
    %dma_wait3A_776 = arith.constant 2 : i32
    %dma_wait3A_777 = tpu.memref_slice %arg6[%dma_wait3A_776] : memref<4x!tpu.dma_semaphore, #tpu.memory_space<semaphore_mem>> -> memref<1x!tpu.dma_semaphore, #tpu.memory_space<semaphore_mem>>
    %dma_wait3A_778 = tpu.memref_squeeze %dma_wait3A_777 : memref<1x!tpu.dma_semaphore, #tpu.memory_space<semaphore_mem>> -> memref<!tpu.dma_semaphore, #tpu.memory_space<semaphore_mem>>
    %dma_wait3A_779 = arith.constant 20480 : i32
    %dma_wait3A_780 = arith.constant 0 : i32
    %dma_wait3A_781 = tpu.memref_slice %arg2[%dma_wait3A_779, %dma_wait3A_780] : memref<32768x64xf32, #tpu.memory_space<any>> -> memref<2048x64xf32, #tpu.memory_space<any>>
    %dma_wait3A_782 = arith.constant 0 : i32
    %dma_wait3A_783 = arith.constant 0 : i32
    %dma_wait3A_784 = tpu.memref_slice %arg4[%dma_wait3A_775, %dma_wait3A_782, %dma_wait3A_783] : memref<4x2048x64xf32, #tpu.memory_space<vmem>> -> memref<1x2048x64xf32, #tpu.memory_space<vmem>>
    %dma_wait3A_785 = tpu.memref_squeeze %dma_wait3A_784 : memref<1x2048x64xf32, #tpu.memory_space<vmem>> -> memref<2048x64xf32, #tpu.memory_space<vmem>>
    tpu.wait_dma2 semaphore(%dma_wait3A_778 : memref<!tpu.dma_semaphore, #tpu.memory_space<semaphore_mem>>) src(%dma_wait3A_785 : memref<2048x64xf32, #tpu.memory_space<vmem>>) dst(%dma_wait3A_781 : memref<2048x64xf32, #tpu.memory_space<any>>)
    %dma_wait3A_786 = arith.constant 3 : i32
    %dma_wait3A_787 = arith.constant 3 : i32
    %dma_wait3A_788 = tpu.memref_slice %arg6[%dma_wait3A_787] : memref<4x!tpu.dma_semaphore, #tpu.memory_space<semaphore_mem>> -> memref<1x!tpu.dma_semaphore, #tpu.memory_space<semaphore_mem>>
    %dma_wait3A_789 = tpu.memref_squeeze %dma_wait3A_788 : memref<1x!tpu.dma_semaphore, #tpu.memory_space<semaphore_mem>> -> memref<!tpu.dma_semaphore, #tpu.memory_space<semaphore_mem>>
    %dma_wait3A_790 = arith.constant 22528 : i32
    %dma_wait3A_791 = arith.constant 0 : i32
    %dma_wait3A_792 = tpu.memref_slice %arg2[%dma_wait3A_790, %dma_wait3A_791] : memref<32768x64xf32, #tpu.memory_space<any>> -> memref<2048x64xf32, #tpu.memory_space<any>>
    %dma_wait3A_793 = arith.constant 0 : i32
    %dma_wait3A_794 = arith.constant 0 : i32
    %dma_wait3A_795 = tpu.memref_slice %arg4[%dma_wait3A_786, %dma_wait3A_793, %dma_wait3A_794] : memref<4x2048x64xf32, #tpu.memory_space<vmem>> -> memref<1x2048x64xf32, #tpu.memory_space<vmem>>
    %dma_wait3A_796 = tpu.memref_squeeze %dma_wait3A_795 : memref<1x2048x64xf32, #tpu.memory_space<vmem>> -> memref<2048x64xf32, #tpu.memory_space<vmem>>
    tpu.wait_dma2 semaphore(%dma_wait3A_789 : memref<!tpu.dma_semaphore, #tpu.memory_space<semaphore_mem>>) src(%dma_wait3A_796 : memref<2048x64xf32, #tpu.memory_space<vmem>>) dst(%dma_wait3A_792 : memref<2048x64xf32, #tpu.memory_space<any>>)
    return
  }
}

</mosaic_0001>

<sc_bundles>
// kernel: kernel.4.cloned.1.call-start
scs
__scs_entry_jumppad:
0x0: {  	(pc) =	sbr.rel $0x88, $3  }
0x1: {  	(tag) =	ssettag $0x0;
	lr =	simm.s32 $0x1  }
0x2: {  	[smem:$0x3F9F] =	sst lr;
	_ =	strace $0xD0000000  }
0x3: {  	_ = 	snop  }
0x4: {  	_ = 	snop  }
0x5: {  	_ = 	snop  }
0x6: {  	_ = 	snop  }
0x7: {  	_ = 	snop  }
__scs_overlays_trampoline_lowered:
0x8: {  	[smem:$0x3FAE] =	sst s0  }
0x9: {  	[smem:$0x3FAF] =	sst s1  }
0xa: {  	[smem:$0x3FB0] =	sst s2  }
0xb: {  	[smem:$0x3FB1] =	sst s3  }
0xc: {  	[smem:$0x3FB2] =	sst s4  }
0xd: {  	[smem:$0x3FB3] =	sst s5  }
0xe: {  	[smem:$0x3FB4] =	sst s6  }
0xf: {  	[smem:$0x3FB5] =	sst s7  }
0x10: {  	[smem:$0x3FB6] =	sst s8  }
0x11: {  	[smem:$0x3FB7] =	sst s9;
	s0 =	simm.s32 @!p0 $0x0  }
0x12: {  	s1 =	sld [smem:$0x3F9D];
	s0 =	simm.s32 @p0 $0x1  }
0x13: {  	[smem:$0x3FB8] =	sst s0;
	s0 =	simm.s32 @!p1 $0x0  }
0x14: {  	s2 =	sld [smem:$0x3F9C];
	s0 =	simm.s32 @p1 $0x1  }
0x15: {  	[smem:$0x3FB9] =	sst s0;
	s0 =	simm.s32 @!p2 $0x0  }
0x16: {  	s3 =	sld [smem:$0x3FDB];
	s0 =	simm.s32 @p2 $0x1  }
0x17: {  	s4 =	simm.s32 $0x1BF5;
	[smem:$0x3FBB] =	sst s0  }
0x18: {  	s0 =	sld [smem:$0x3F9E];
	_ =	swait.ge [sflag:s4], $0x0  }
0x19: {  	s7 =	sld [smem:$0x3F9F]  }
0x1a: {  	s8 =	sadd.s32 $0xFFFFE003, lr  }
0x1b: {  	s9 =	sadd.s32 $0xFFFFFEF7, lr;
	s5 =	simm.s32 $0xFFFFFFFF;
	p2 =	slt.u32 s8, $0xFFFFF086  }
0x1c: {  	p1 =	slt.u32 s9, $0xF7A;
	s5 =	simm.s32 @!p2 $0x0  }
0x1d: {  	s5 =	simm.s32 @p1 $0x1;
	p0 =	seq.s32 s7, s2  }
0x1e: {  	s7 =	smul.u32 @!p0 $0xF7A, s2;
	p2 =	seq.s32 @!p0 s5, $0x0  }
0x1f: {  	s9 =	smul.u32 $0xF7A, s1;
	s8 =	simm.s32 @!p0 $0x1BF5;
	p2 =	por !p2, p0  }
0x20: {  	[sflag:s8] =	ssyncset.s32 @!p0 $0xFFFFF086;
	s6 =	sadd.s32 @!p0 s3, s7;
	s7 =	simm.s32 @!p0 $0x108  }
0x21: {  	s3 =	sadd.s32 s3, s9;
	s6 =	sadd.s32 @!p0 $0x88, s6;
	s7 =	simm.s32 @p2 $0x1082  }
0x22: {  	[simem:s7], [sflag:s8] =	dma.local @!p0 [hbm:s6], $0xF7A  }
0x23: {  	s9 =	sor.u32 $0xD0000000, s2;
	s6 =	simm.s32 $0x108;
	_ =	swait.ge @!p0 [sflag:s8], $0x0  }
0x24: {  	s3 =	sadd.s32 $0x88, s3;
	s6 =	simm.s32 @!p1 $0x1082;
	[sflag:s4] =	ssyncset.s32 $0xFFFFF086  }
0x25: {  	[simem:s6], [sflag:s4] =	dma.local [hbm:s3], $0xF7A  }
0x26: {  	[smem:$0x3F9F] =	sst s1;
	(tag) =	ssettag s2;
	_ =	strace s9  }
0x27: {  	s1 =	sld [smem:$0x3FAF]  }
0x28: {  	s2 =	sld [smem:$0x3FB0]  }
0x29: {  	s4 =	sld [smem:$0x3FB2]  }
0x2a: {  	p0 =	seq.s32 s5, $0x0;
	s5 =	sld [smem:$0x3FB3]  }
0x2b: {  	s6 =	sld [smem:$0x3FB4]  }
0x2c: {  	s7 =	sld [smem:$0x3FB5]  }
0x2d: {  	s3 =	simm.s32 $0x108;
	s8 =	sld [smem:$0x3FB6]  }
0x2e: {  	s3 =	simm.s32 @!p0 $0x1082;
	s9 =	sld [smem:$0x3FB7]  }
0x2f: {  	lr =	sadd.s32 s0, s3;
	s0 =	sld [smem:$0x3FAE]  }
0x30: {  	s3 =	sld [smem:$0x3FB1]  }
0x31: {  	[smem:$0x3FBA] =	sst s10  }
0x32: {  	s10 =	sld [smem:$0x3FB8];
	_ =	sdelay $0x3  }
0x33: {  	p0 =	seq.s32 s10, $0x1;
	s10 =	sld [smem:$0x3FBA];
	_ =	sdelay $0x3  }
0x34: {  	[smem:$0x3FBA] =	sst s10  }
0x35: {  	s10 =	sld [smem:$0x3FB9];
	_ =	sdelay $0x3  }
0x36: {  	p1 =	seq.s32 s10, $0x1;
	s10 =	sld [smem:$0x3FBA];
	_ =	sdelay $0x3  }
0x37: {  	[smem:$0x3FBA] =	sst s10  }
0x38: {  	s10 =	sld [smem:$0x3FBB]  }
0x39: {  	_ = 	snop;
	(pc) =	sbr.ind lr, $3  }
0x3a: {  	_ = 	snop  }
0x3b: {  	_ = 	snop  }
0x3c: {  	p2 =	seq.s32 s10, $0x1;
	s10 =	sld [smem:$0x3FBA]  }
0x3d: {  	_ =	shalt  }
0x3e: {  	_ =	shalt  }
0x3f: {  	_ =	shalt  }
0x40: {  	_ =	shalt  }
0x41: {  	_ =	shalt  }
0x42: {  	_ =	shalt  }
0x43: {  	_ =	shalt  }
0x44: {  	_ =	shalt  }
0x45: {  	_ =	shalt  }
0x46: {  	_ =	shalt  }
0x47: {  	_ =	shalt  }
0x48: {  	_ =	shalt  }
0x49: {  	_ =	shalt  }
0x4a: {  	_ =	shalt  }
0x4b: {  	_ =	shalt  }
0x4c: {  	_ =	shalt  }
0x4d: {  	_ =	shalt  }
0x4e: {  	_ =	shalt  }
0x4f: {  	_ =	shalt  }
0x50: {  	_ =	shalt  }
0x51: {  	_ =	shalt  }
0x52: {  	_ =	shalt  }
0x53: {  	_ =	shalt  }
0x54: {  	_ =	shalt  }
0x55: {  	_ =	shalt  }
0x56: {  	_ =	shalt  }
0x57: {  	_ =	shalt  }
0x58: {  	_ =	shalt  }
0x59: {  	_ =	shalt  }
0x5a: {  	_ =	shalt  }
0x5b: {  	_ =	shalt  }
0x5c: {  	_ =	shalt  }
0x5d: {  	_ =	shalt  }
0x5e: {  	_ =	shalt  }
0x5f: {  	_ =	shalt  }
0x60: {  	_ =	shalt  }
0x61: {  	_ =	shalt  }
0x62: {  	_ =	shalt  }
0x63: {  	_ =	shalt  }
0x64: {  	_ =	shalt  }
0x65: {  	_ =	shalt  }
0x66: {  	_ =	shalt  }
0x67: {  	_ =	shalt  }
0x68: {  	_ =	shalt  }
0x69: {  	_ =	shalt  }
0x6a: {  	_ =	shalt  }
0x6b: {  	_ =	shalt  }
0x6c: {  	_ =	shalt  }
0x6d: {  	_ =	shalt  }
0x6e: {  	_ =	shalt  }
0x6f: {  	_ =	shalt  }
0x70: {  	_ =	shalt  }
0x71: {  	_ =	shalt  }
0x72: {  	_ =	shalt  }
0x73: {  	_ =	shalt  }
0x74: {  	_ =	shalt  }
0x75: {  	_ =	shalt  }
0x76: {  	_ =	shalt  }
0x77: {  	_ =	shalt  }
0x78: {  	_ =	shalt  }
0x79: {  	_ =	shalt  }
0x7a: {  	_ =	shalt  }
0x7b: {  	_ =	shalt  }
0x7c: {  	_ =	shalt  }
0x7d: {  	_ =	shalt  }
0x7e: {  	_ =	shalt  }
0x7f: {  	_ =	shalt  }
0x80: {  	_ =	shalt  }
0x81: {  	_ =	shalt  }
0x82: {  	_ =	shalt  }
0x83: {  	_ =	shalt  }
0x84: {  	_ =	shalt  }
0x85: {  	_ =	shalt  }
0x86: {  	_ =	shalt  }
0x87: {  	_ =	shalt  }
.Lfunc_end0:
.L_simem_size_0:
called_computation_lowered:
.L_overlay_start_0:
0x88: {  	s2 =	sld [smem:$0x3FD9]  }
0x89: {  	s3 =	sld [smem:$0x3FFE];
	_ =	sdelay $0x1  }
0x8a: {  	s1 =	srdreg.scid  }
0x8b: {  	s0 =	sand.u32 $0x1, s1  }
0x8c: {  	s17 =	sshll.u32 s0, $0xA;
	s2 =	sadd.s32 s3, s2  }
0x8d: {  	s2 =	sadd.s32 s2, s17  }
0x8e: {  	[smem:$0x3FC6] =	sst s2  }
0x8f: {  	_ = 	snop  }
0x90: {  	s2 =	sld [smem:$0x3FD0];
	(tm) =	ssettm $0x1  }
0x91: {  	s18 =	sld [smem:$0x3FFB];
	_ =	sdelay $0x3  }
0x92: {  	_ =	strace s18  }
0x93: {  	s3 =	sld [smem:$0x3FFC];
	_ =	sdelay $0x3  }
0x94: {  	_ =	strace s3  }
0x95: {  	s3 =	sld [smem:$0x3FFD];
	_ =	sdelay $0x3  }
0x96: {  	_ =	strace s3  }
0x97: {  	_ =	strace $0x8FFFFFFF  }
0x98: {  	s19 =	sld [smem:$0x3FDB];
	_ =	sdelay $0x1  }
0x99: {  	s4 =	simm.s32 $_scs_section_size  }
0x9a: {  	s5 =	simm.s32 $_size__tile_overlayer_lowered;
	s6 =	simm.s32 $_tile_overlayer_lowered  }
0x9b: {  	s22 =	simm.s32 $0x1BFF;
	s21 =	sshll.u32 s6, $0x1;
	s3 =	sadd.s32 s4, s19  }
0x9c: {  	s7 =	simm.s32 $0x0;
	s20 =	sshll.u32 s5, $0x1;
	s5 =	sadd.s32 s21, s3  }
0x9d: {  	[timem:s7], [sflag:s22] =	dma.local [hbm:s5], s20  }
0x9e: {  	_ =	swait.ge [sflag:s22], s20  }
0x9f: {  	s4 =	ssub.s32 $0x0, s20;
	[sflag:s22] =	ssyncset.done $0x0  }
0xa0: {  	[sflag:s22] =	ssyncadd.s32 s4;
	_ =	sdelay $0x1  }
0xa1: {  	s23 =	simm.s32 $0x1B8B  }
0xa2: {  	_ =	swait.ge [sflag:s23], $0x1  }
0xa3: {  	[sflag:s23] =	ssyncset.done $0x0  }
0xa4: {  	s25 =	simm.s32 $0x1B8E;
	s24 =	sld [smem:$0x3FFE];
	[sflag:s23] =	ssyncadd.s32 $0xFFFFFFFF  }
0xa5: {  	s26 =	simm.s32 $execute0_lowered;
	[smem:$0x3FD2] =	sst s25  }
0xa6: {  	s5 =	sshll.u32 s26, $0x1;
	_ =	strace $0x80000046;
	[dreg:$0x1] =	wrdreg $0xFFFFFFFF  }
0xa7: {  	s28 =	simm.s32 $_size_execute0_lowered;
	s3 =	sadd.s32 s3, s5;
	[dreg:$0x0] =	wrdreg $0x0  }
0xa8: {  	s5 =	sshll.u32 s28, $0x1;
	[dreg:$0x2] =	wrdreg s3  }
0xa9: {  	[dreg:$0x3] =	wrdreg s5  }
0xaa: {  	[dreg:$0x4] =	wrdreg $0xC0  }
0xab: {  	_ =	task [dreg:s7], $0x5FFFF  }
0xac: {  	[dreg:$0x1] =	wrdreg $0xFFFFFFFF  }
0xad: {  	[dreg:$0x0] =	wrdreg $0x60  }
0xae: {  	[dreg:$0x2] =	wrdreg s24  }
0xaf: {  	[dreg:$0x3] =	wrdreg s2  }
0xb0: {  	[dreg:$0x4] =	wrdreg $0x9  }
0xb1: {  	_ =	task.clear_ibuf [dreg:s7], $0x5FFFF;
	_ =	strace $0x90000046  }
0xb2: {  	s29 =	simm.s32 $0x9;
	_ =	strace $0x80000048  }
0xb3: {  	_ =	swait.ge [sflag:s29], $0x1  }
0xb4: {  	[sflag:s29] =	ssyncadd.s32 $0xFFFFFFFF  }
0xb5: {  	_ =	strace $0x90000048  }
0xb6: {  	_ =	sfence  }
0xb7: {  	s30 =	sld [smem:$0x0];
	_ =	sdelay $0x2  }
0xb8: {  	s31 =	sshll.u32 s1, $0xD;
	s1 =	sshrl.u32 s1, $0x2  }
0xb9: {  	s3 =	sand.u32 $0x4000, s31;
	s1 =	sadd.s32 s1, s30  }
0xba: {  	s0 =	sor.u32 s3, s0;
	s1 =	sshll.u32 s1, $0x11  }
0xbb: {  	s0 =	sor.u32 s1, s0  }
0xbc: {  	s0 =	sadd.s32 $0x8F2B, s0  }
0xbd: {  	[sflag:s0] =	ssyncadd.remote.s32 $0x1  }
0xbe: {  	_ =	sfence.sel $0xFFFF  }
0xbf: {  	[dreg:$0x0] =	wrdreg $0xFFFFFFFF;
	(pc) =	sbr.abs _section_cstart, $3  }
0xc0: {  	[dreg:$0x1] =	wrdreg $0xFFFFFFFF  }
0xc1: {  	_ =	task.clear_ibuf [dreg:s7], $0x2FFFF;
	_ =	strace $0x9FFFFFFF  }
0xc2: {  	(tm) =	ssettm $0x7FFFFFFF  }
0xc3: {  	_ =	shalt  }
tec
execute0_lowered:
.L_overlay_start_1:
0x0: {  	(tag) =	ssettag $0x1  }
0x1: {  	v0 =	vimm.s32 $0xFEDCBA98;
	s4 =	rddreg [dreg:$0x0];
	v1 =	vimm.s32 $0x76543210  }
0x2: {  	s5 =	rddreg [dreg:$0x1];
	v2 =	vimm.s32 $0xBA98FEDC;
	v3 =	vimm.s32 $0x32107654;
	v4 =	vimm.s32 $0xDCFE98BA  }
0x3: {  	s0 =	rddreg [dreg:$0x2];
	v5 =	vimm.s32 $0x54761032;
	v6 =	vimm.s32 $0xEFCDAB89;
	v7 =	vimm.s32 $0x67452301  }
0x4: {  	s1 =	simm.s32 $0x0;
	s3 =	srdreg.scid;
	s2 =	stileid.u32;
	v0 =	vunpack.c.l.s4.s8 v0;
	v1 =	vunpack.c.l.s4.s8 v1;
	v2 =	vunpack.c.l.s4.s8 v2  }
0x5: {  	s10 =	simm.s32 $0x80;
	s11 =	simm.s32 $0x4080;
	s12 =	simm.s32 $0x1;
	v3 =	vunpack.c.l.s4.s8 v3;
	v4 =	vunpack.c.l.s4.s8 v4;
	v5 =	vunpack.c.l.s4.s8 v5  }
0x6: {  	s13 =	simm.s32 $0x2;
	s14 =	simm.s32 $0x3;
	s15 =	simm.s32 $0x4;
	v6 =	vunpack.c.l.s4.s8 v6;
	v7 =	vunpack.c.l.s4.s8 v7;
	v0 =	vunpack.c.0.s8.s32 v0  }
0x7: {  	s16 =	simm.s32 $0x0;
	[smem:$0x7FF] =	sst s1;
	s3 =	sand.u32 $0x1, s3;
	v2 =	vunpack.c.0.s8.s32 v2;
	v3 =	vunpack.c.0.s8.s32 v3;
	v4 =	vunpack.c.0.s8.s32 v4  }
0x8: {  	s6 =	sshll.u32 s2, $0xD;
	s7 =	sshll.u32 s3, $0xC;
	s8 =	ssub.s32 $0x2, s3;
	v5 =	vunpack.c.0.s8.s32 v5;
	v6 =	vunpack.c.0.s8.s32 v6;
	v7 =	vunpack.c.0.s8.s32 v7  }
0x9: {  	_ =	strace $0x80000047;
	s6 =	sor.u32 s7, s6;
	s31 =	sshrl.u32 s8, $0x1;
	v1 =	vunpack.c.0.s8.s32 v1;
	v2 =	vcombine.low v3, v2  }
0xa: {  	s3 =	sadd.s32 $0x80600, s4;
	s9 =	sadd.s32 s6, s4;
	s8 =	ssub.s32 s8, s31;
	v3 =	vcombine.low v5, v4;
	v4 =	vcombine.low v7, v6;
	v0 =	vand.u32 $0xF, v0  }
0xb: {  	s4 =	sadd.s32 s5, s6;
	s5 =	sadd.s32 $0x60400, s9;
	s6 =	sadd.s32 $0x60C00, s9;
	v0 =	vcombine.low v0, v1  }
0xc: {  	s7 =	sadd.s32 $0x800, s4;
	s8 =	smax.u32 s8, $0x1;
	s9 =	simm.s32 $0x5;
	v1 =	vand.u32 $0xF, v2;
	v2 =	vand.u32 $0xF, v3;
	v3 =	vand.u32 $0xF, v4  }
.LBB2_1:
0xd: {  	[tilespmem:s1], [sflag:$0x5] =	stream.linear.gather [hbm4b:s3+s1], $0x80, $0x38;
	[tilespmem:$0x8080] =	vst v63  }
0xe: {  	_ =	swait.ge [sflag:s9], $0x80  }
0xf: {  	[sflag:s9] =	ssyncset.done $0x0  }
0x10: {  	[sflag:s9] =	ssyncadd.s32 $0xFFFFFF80  }
0x11: {  	v4 =	vld [tilespmem:$0x0];
	[tilespmem:s10], [sflag:$0x1] =	stream.linear.gather [hbm4b:s5+s1], $0x4000, $0x38  }
0x12: {  	_ = 	snop  }
0x13: {  	[tilespmem:s11], [sflag:$0x2] =	stream.linear.gather [hbm4b:s6+s1], $0x4000, $0x38;
	[tilespmem:$0x8080] =	vst v63  }
0x14: {  	_ =	swait.ge [sflag:s12], $0x4000  }
0x15: {  	[sflag:s12] =	ssyncset.done $0x0  }
0x16: {  	s17 =	simm.s32 $0x0;
	[sflag:s12] =	ssyncadd.s32 $0xFFFFC000  }
0x17: {  	v5 =	vld [tilespmem:s17+$0x210]  }
0x18: {  	v6 =	vld [tilespmem:s17+$0x200];
	_ =	sdelay $0x2  }
0x19: {  	v7 =	vld [tilespmem:s17+$0x220]  }
0x1a: {  	v5 =	vmul.f32 v5, v4  }
0x1b: {  	v8 =	vld [tilespmem:s17+$0x230];
	v6 =	vmul.f32 v6, v4  }
0x1c: {  	v5 =	vmul.f32 $1.442695020e+00, v5  }
0x1d: {  	v6 =	vmul.f32 $1.442695020e+00, v6  }
0x1e: {  	v7 =	vmul.f32 v7, v4;
	(erf) = vpow2.f32 v5  }
0x1f: {  	(erf) = vpow2.f32 v6  }
0x20: {  	v8 =	vmul.f32 v8, v4;
	v5 =	vmul.f32 $1.442695020e+00, v7;
	_ =	sdelay $0x1  }
0x21: {  	v6 =	vmul.f32 $1.442695020e+00, v8;
	(erf) = vpow2.f32 v5;
	_ =	sdelay $0x1  }
0x22: {  	(erf) = vpow2.f32 v6;
	_ =	sdelay $0x2  }
0x23: {  	v5 =	vpop (erf)  }
0x24: {  	v6 =	vpop (erf)  }
0x25: {  	v9 =	vld [tilespmem:s17+$0x90];
	v8 =	vadd.f32 v5, v6  }
0x26: {  	v10 =	vld [tilespmem:s17+$0x80]  }
0x27: {  	v7 =	vpop (erf)  }
0x28: {  	v11 =	vadd.f32 v7, v8  }
0x29: {  	v12 =	vld [tilespmem:s17+$0xA0];
	v8 =	vpop (erf)  }
0x2a: {  	v13 =	vld [tilespmem:s17+$0xB0];
	v9 =	vmul.f32 v9, v4;
	v11 =	vadd.f32 v8, v11  }
0x2b: {  	v14 =	vld [tilespmem:s17+$0x190];
	v10 =	vmul.f32 v10, v4  }
0x2c: {  	v16 =	vld [tilespmem:s17+$0x180];
	v9 =	vmul.f32 $1.442695020e+00, v9;
	v15 =	vperm.xlane v11, v0  }
0x2d: {  	v10 =	vmul.f32 $1.442695020e+00, v10  }
0x2e: {  	v12 =	vmul.f32 v12, v4;
	(erf) = vpow2.f32 v9;
	v9 =	vadd.f32 v11, v15  }
0x2f: {  	(erf) = vpow2.f32 v10;
	v10 =	vmul.f32 v13, v4  }
0x30: {  	v11 =	vmul.f32 $1.442695020e+00, v12;
	v12 =	vld [tilespmem:s17+$0x1A0];
	v13 =	vperm.xlane v9, v1  }
0x31: {  	v14 =	vmul.f32 v14, v4;
	v16 =	vmul.f32 v16, v4  }
0x32: {  	v10 =	vmul.f32 $1.442695020e+00, v10;
	v15 =	vld [tilespmem:s17+$0x1B0];
	(erf) = vpow2.f32 v11;
	v9 =	vadd.f32 v9, v13  }
0x33: {  	v11 =	vmul.f32 $1.442695020e+00, v14;
	v14 =	vmul.f32 $1.442695020e+00, v16;
	v13 =	vld [tilespmem:s17+$0x100]  }
0x34: {  	(erf) = vpow2.f32 v10;
	v10 =	vperm.xlane v9, v2  }
0x35: {  	(erf) = vpow2.f32 v11;
	v12 =	vmul.f32 v12, v4  }
0x36: {  	(erf) = vpow2.f32 v14;
	v11 =	vadd.f32 v9, v10  }
0x37: {  	v16 =	vld [tilespmem:s17+$0x130];
	v15 =	vmul.f32 v15, v4;
	v12 =	vmul.f32 $1.442695020e+00, v12  }
0x38: {  	v14 =	vld [tilespmem:s17+$0x110];
	v13 =	vmul.f32 v13, v4;
	v18 =	vperm.xlane v11, v3  }
0x39: {  	v17 =	vld [tilespmem:s17+$0x120];
	v15 =	vmul.f32 $1.442695020e+00, v15;
	v9 =	vpop (erf)  }
0x3a: {  	(erf) = vpow2.f32 v12;
	v10 =	vpop (erf);
	v11 =	vadd.f32 v11, v18  }
0x3b: {  	(erf) = vpow2.f32 v15;
	v19 =	vadd.f32 v9, v10  }
0x3c: {  	v12 =	vmul.f32 $1.442695020e+00, v13;
	v13 =	vpop (erf);
	(erf) = vrcp.f32 v11  }
0x3d: {  	v15 =	vmul.f32 v14, v4;
	v18 =	vadd.f32 v13, v19;
	v11 =	vmul.f32 v16, v4  }
0x3e: {  	v14 =	vpop (erf);
	v16 =	vmul.f32 v17, v4;
	(erf) = vpow2.f32 v12  }
0x3f: {  	v17 =	vmul.f32 $1.442695020e+00, v15;
	v15 =	vadd.f32 v14, v18  }
0x40: {  	v12 =	vpop (erf);
	v19 =	vmul.f32 $1.442695020e+00, v11;
	v16 =	vmul.f32 $1.442695020e+00, v16  }
0x41: {  	(erf) = vpow2.f32 v17;
	v11 =	vpop (erf);
	v18 =	vperm.xlane v15, v0  }
0x42: {  	s18 =	simm.s32 $0x800;
	(erf) = vpow2.f32 v19;
	v17 =	vadd.f32 v12, v11  }
.LBB2_2:
0x43: {  	p0 =	sne.s32 s18, $0xF800;
	v15 =	vadd.f32 v15, v18;
	(erf) = vpow2.f32 v16;
	v18 =	vpop (erf);
	s19 =	smov.u32 s18;
	s18 =	sadd.s32 $0x800, s18  }
0x44: {  	v22 =	vadd.f32 v18, v17;
	v19 =	vpop (erf)  }
0x45: {  	v17 =	vperm.xlane v15, v1;
	v20 =	vpop (erf)  }
0x46: {  	v21 =	vadd.f32 v19, v22;
	v5 =	vmul.f32 v20, v5  }
0x47: {  	v6 =	vmul.f32 v20, v6;
	v8 =	vmul.f32 v20, v8;
	v17 =	vadd.f32 v15, v17;
	v16 =	vpop (erf)  }
0x48: {  	v22 =	vperm.xlane v21, v0;
	[tilespmem:s17+$0x210] =	vst v5;
	v5 =	vmul.f32 v20, v7  }
0x49: {  	v7 =	vperm.xlane v17, v2;
	[tilespmem:s17+$0x230] =	vst v8  }
0x4a: {  	s19 =	sshra.s32 s19, $0x2;
	v8 =	vadd.f32 v21, v22;
	[tilespmem:s17+$0x200] =	vst v6;
	v15 =	vpop (erf)  }
0x4b: {  	v6 =	vld [tilespmem:s19+$0x210];
	v7 =	vadd.f32 v17, v7;
	v20 =	vadd.f32 v15, v16;
	[tilespmem:s17+$0x220] =	vst v5;
	v21 =	vpop (erf)  }
0x4c: {  	v5 =	vld [tilespmem:s19+$0x220];
	v22 =	vperm.xlane v8, v1;
	v17 =	vpop (erf)  }
0x4d: {  	v23 =	vld [tilespmem:s19+$0x230];
	v24 =	vperm.xlane v7, v3;
	v20 =	vadd.f32 v17, v20  }
0x4e: {  	v25 =	vld [tilespmem:s19+$0x200];
	v8 =	vadd.f32 v8, v22  }
0x4f: {  	v7 =	vadd.f32 v7, v24;
	v20 =	vadd.f32 v21, v20  }
0x50: {  	v6 =	vmul.f32 v6, v4;
	v22 =	vperm.xlane v8, v2  }
0x51: {  	v5 =	vmul.f32 v5, v4;
	(erf) = vrcp.f32 v7  }
0x52: {  	v7 =	vperm.xlane v20, v0;
	v6 =	vmul.f32 $1.442695020e+00, v6;
	v8 =	vadd.f32 v8, v22  }
0x53: {  	v23 =	vmul.f32 v23, v4;
	v22 =	vmul.f32 v25, v4  }
0x54: {  	v5 =	vmul.f32 $1.442695020e+00, v5;
	v7 =	vadd.f32 v20, v7;
	v20 =	vperm.xlane v8, v3  }
0x55: {  	v23 =	vmul.f32 $1.442695020e+00, v23;
	v22 =	vmul.f32 $1.442695020e+00, v22  }
0x56: {  	(erf) = vpow2.f32 v6;
	v6 =	vperm.xlane v7, v1;
	v8 =	vadd.f32 v8, v20  }
0x57: {  	(erf) = vpow2.f32 v22  }
0x58: {  	v6 =	vadd.f32 v7, v6;
	(erf) = vrcp.f32 v8  }
0x59: {  	(erf) = vpow2.f32 v5  }
0x5a: {  	v5 =	vperm.xlane v6, v2;
	v7 =	vpop (erf)  }
0x5b: {  	(erf) = vpow2.f32 v23;
	v8 =	vmul.f32 v7, v9  }
0x5c: {  	v9 =	vmul.f32 v7, v10;
	v10 =	vmul.f32 v7, v13;
	v13 =	vadd.f32 v6, v5  }
0x5d: {  	v7 =	vmul.f32 v7, v14;
	[tilespmem:s17+$0x90] =	vst v8  }
0x5e: {  	v8 =	vld [tilespmem:s19+$0x90];
	[tilespmem:s17+$0xA0] =	vst v10;
	v10 =	vperm.xlane v13, v3  }
0x5f: {  	v14 =	vld [tilespmem:s19+$0xA0];
	v5 =	vpop (erf);
	[tilespmem:s17+$0x80] =	vst v9  }
0x60: {  	v9 =	vld [tilespmem:s19+$0x80];
	v6 =	vpop (erf);
	[tilespmem:s17+$0xB0] =	vst v7;
	v10 =	vadd.f32 v13, v10  }
0x61: {  	v13 =	vpop (erf)  }
0x62: {  	v20 =	vadd.f32 v5, v6;
	v7 =	vpop (erf);
	v12 =	vmul.f32 v13, v12;
	v19 =	vmul.f32 v13, v19  }
0x63: {  	v22 =	vmul.f32 v8, v4;
	(erf) = vrcp.f32 v10  }
0x64: {  	v11 =	vmul.f32 v13, v11;
	v20 =	vadd.f32 v7, v20;
	v10 =	vld [tilespmem:s19+$0xB0];
	v8 =	vpop (erf);
	[tilespmem:s17+$0x190] =	vst v12;
	v12 =	vmul.f32 v13, v18  }
0x65: {  	v9 =	vmul.f32 v9, v4;
	v13 =	vmul.f32 $1.442695020e+00, v22;
	v18 =	vld [tilespmem:s19+$0x190];
	[tilespmem:s17+$0x1B0] =	vst v19  }
0x66: {  	v14 =	vmul.f32 v14, v4;
	v20 =	vadd.f32 v8, v20;
	v19 =	vld [tilespmem:s19+$0x1B0];
	[tilespmem:s17+$0x180] =	vst v11  }
0x67: {  	v9 =	vmul.f32 $1.442695020e+00, v9;
	v11 =	vld [tilespmem:s19+$0x180];
	(erf) = vpow2.f32 v13;
	[tilespmem:s17+$0x1A0] =	vst v12  }
0x68: {  	v12 =	vperm.xlane v20, v0  }
0x69: {  	v13 =	vmul.f32 $1.442695020e+00, v14;
	v14 =	vld [tilespmem:s19+$0x1A0];
	(erf) = vpow2.f32 v9  }
0x6a: {  	v9 =	vmul.f32 v10, v4;
	v12 =	vadd.f32 v20, v12;
	v10 =	vmul.f32 v18, v4  }
0x6b: {  	v18 =	vmul.f32 v19, v4  }
0x6c: {  	v19 =	vmul.f32 $1.442695020e+00, v9;
	v9 =	vperm.xlane v12, v1;
	v20 =	vpop (erf)  }
0x6d: {  	v22 =	vmul.f32 $1.442695020e+00, v10;
	v10 =	vmul.f32 v20, v21  }
0x6e: {  	v16 =	vmul.f32 v20, v16;
	v14 =	vmul.f32 v14, v4  }
0x6f: {  	v11 =	vmul.f32 v11, v4;
	v12 =	vadd.f32 v12, v9;
	(erf) = vpow2.f32 v13;
	[tilespmem:s17+$0x130] =	vst v10  }
0x70: {  	v13 =	vmul.f32 $1.442695020e+00, v14;
	v9 =	vpop (erf);
	(erf) = vpow2.f32 v19;
	[tilespmem:s17+$0x100] =	vst v16  }
0x71: {  	v17 =	vmul.f32 v20, v17;
	v16 =	vperm.xlane v12, v2;
	v14 =	vld [tilespmem:s19+$0x100]  }
0x72: {  	v15 =	vmul.f32 v20, v15;
	v11 =	vmul.f32 $1.442695020e+00, v11;
	v10 =	vpop (erf)  }
0x73: {  	v12 =	vadd.f32 v12, v16;
	v19 =	vadd.f32 v9, v10;
	(erf) = vpow2.f32 v22;
	[tilespmem:s17+$0x120] =	vst v17  }
0x74: {  	v17 =	vmul.f32 $1.442695020e+00, v18;
	v16 =	vld [tilespmem:s19+$0x120];
	(erf) = vpow2.f32 v11;
	[tilespmem:s17+$0x110] =	vst v15;
	s17 =	smov.u32 s19  }
0x75: {  	v15 =	vperm.xlane v12, v3;
	v11 =	vld [tilespmem:s17+$0x110]  }
0x76: {  	v21 =	vmul.f32 v14, v4;
	v18 =	vld [tilespmem:s17+$0x130]  }
0x77: {  	v12 =	vadd.f32 v12, v15;
	(erf) = vpow2.f32 v13  }
0x78: {  	v20 =	vmul.f32 $1.442695020e+00, v21;
	v13 =	vpop (erf);
	(erf) = vpow2.f32 v17  }
0x79: {  	v15 =	vadd.f32 v13, v19;
	v14 =	vpop (erf);
	(erf) = vrcp.f32 v12  }
0x7a: {  	v21 =	vmul.f32 v16, v4;
	v22 =	vmul.f32 v11, v4  }
.Ltmp0:
0x7b: {  	v15 =	vadd.f32 v14, v15;
	v17 =	vmul.f32 v18, v4;
	(erf) = vpow2.f32 v20;
	(pc) =	sbr.rel @p0 .LBB2_2-.Ltmp0, $4  }
0x7c: {  	v16 =	vmul.f32 $1.442695020e+00, v21;
	v19 =	vmul.f32 $1.442695020e+00, v22;
	v12 =	vpop (erf)  }
0x7d: {  	v20 =	vmul.f32 $1.442695020e+00, v17;
	v11 =	vpop (erf)  }
0x7e: {  	v18 =	vperm.xlane v15, v0;
	v17 =	vadd.f32 v12, v11;
	(erf) = vpow2.f32 v19  }
0x7f: {  	(erf) = vpow2.f32 v20  }
0x80: {  	(erf) = vpow2.f32 v16;
	_ =	sdelay $0x2  }
0x81: {  	v16 =	vpop (erf)  }
0x82: {  	v19 =	vpop (erf)  }
0x83: {  	v17 =	vadd.f32 v16, v17;
	v20 =	vpop (erf)  }
0x84: {  	v15 =	vadd.f32 v15, v18;
	v21 =	vpop (erf)  }
0x85: {  	v17 =	vadd.f32 v19, v17;
	v18 =	vpop (erf)  }
0x86: {  	v24 =	vperm.xlane v15, v1;
	v22 =	vadd.f32 v18, v21;
	v23 =	vpop (erf)  }
0x87: {  	v26 =	vperm.xlane v17, v0;
	v25 =	vpop (erf)  }
0x88: {  	v15 =	vadd.f32 v15, v24;
	v22 =	vadd.f32 v25, v22  }
0x89: {  	v17 =	vadd.f32 v17, v26  }
0x8a: {  	v24 =	vperm.xlane v15, v2;
	v22 =	vadd.f32 v23, v22  }
0x8b: {  	v26 =	vperm.xlane v17, v1  }
0x8c: {  	v15 =	vadd.f32 v15, v24;
	v27 =	vperm.xlane v22, v0  }
0x8d: {  	v17 =	vadd.f32 v17, v26  }
0x8e: {  	v24 =	vperm.xlane v15, v3;
	v22 =	vadd.f32 v22, v27  }
0x8f: {  	v26 =	vperm.xlane v17, v2  }
0x90: {  	v15 =	vadd.f32 v15, v24;
	v27 =	vperm.xlane v22, v1  }
0x91: {  	v17 =	vadd.f32 v17, v26  }
0x92: {  	(erf) = vrcp.f32 v15;
	v22 =	vadd.f32 v22, v27  }
0x93: {  	v15 =	vperm.xlane v17, v3  }
0x94: {  	v63 =	vperm.xlane v22, v2  }
0x95: {  	v15 =	vadd.f32 v17, v15  }
0x96: {  	v17 =	vadd.f32 v22, v63  }
0x97: {  	(erf) = vrcp.f32 v15  }
0x98: {  	v5 =	vmul.f32 v20, v5;
	v15 =	vperm.xlane v17, v3;
	_ =	sdelay $0x1  }
0x99: {  	[tilespmem:s17+$0x210] =	vst v5;
	v5 =	vmul.f32 v20, v6;
	v6 =	vmul.f32 v20, v7;
	v15 =	vadd.f32 v17, v15  }
0x9a: {  	v8 =	vmul.f32 v20, v8;
	v7 =	vpop (erf)  }
0x9b: {  	[tilespmem:s17+$0x220] =	vst v6;
	v6 =	vmul.f32 v7, v13;
	(erf) = vrcp.f32 v15  }
0x9c: {  	[tilespmem:s17+$0x200] =	vst v5;
	v5 =	vmul.f32 v7, v9  }
0x9d: {  	[tilespmem:s17+$0x230] =	vst v8  }
0x9e: {  	[tilespmem:s17+$0x90] =	vst v5;
	v5 =	vmul.f32 v7, v14  }
0x9f: {  	[tilespmem:s17+$0xA0] =	vst v6;
	v6 =	vpop (erf)  }
0xa0: {  	v8 =	vmul.f32 v7, v10;
	[tilespmem:s17+$0xB0] =	vst v5;
	v5 =	vmul.f32 v6, v19  }
0xa1: {  	v7 =	vmul.f32 v6, v12  }
0xa2: {  	[tilespmem:s17+$0x80] =	vst v8  }
0xa3: {  	v8 =	vmul.f32 v6, v11;
	[tilespmem:s17+$0x190] =	vst v7  }
0xa4: {  	v6 =	vmul.f32 v6, v16;
	[tilespmem:s17+$0x1B0] =	vst v5;
	v5 =	vpop (erf)  }
0xa5: {  	[tilespmem:s17+$0x180] =	vst v8;
	v7 =	vmul.f32 v5, v23  }
0xa6: {  	[tilespmem:s17+$0x1A0] =	vst v6;
	v6 =	vmul.f32 v5, v21  }
0xa7: {  	[tilespmem:s17+$0x130] =	vst v7;
	v7 =	vmul.f32 v5, v25  }
0xa8: {  	[tilespmem:s17+$0x100] =	vst v6;
	v5 =	vmul.f32 v5, v18  }
0xa9: {  	[tilespmem:s17+$0x120] =	vst v7  }
0xaa: {  	s31 =	simm.s32 $0x0;
	[tilespmem:s17+$0x110] =	vst v5  }
0xab: {  	[hbm4b:s4+s31] =	stream.linear.scatter [tilespmem:s10], [sflag:$0x3], $0x4000, $0x38;
	[tilespmem:$0x8080] =	vst v63  }
0xac: {  	_ =	swait.ge [sflag:s13], $0x4000  }
0xad: {  	[sflag:s13] =	ssyncset.done $0x0  }
0xae: {  	s17 =	simm.s32 $0x0;
	[sflag:s13] =	ssyncadd.s32 $0xFFFFC000  }
0xaf: {  	v5 =	vld [tilespmem:s17+$0x4210]  }
0xb0: {  	v6 =	vld [tilespmem:s17+$0x4200];
	_ =	sdelay $0x2  }
0xb1: {  	v7 =	vld [tilespmem:s17+$0x4220]  }
0xb2: {  	v5 =	vmul.f32 v5, v4  }
0xb3: {  	v8 =	vld [tilespmem:s17+$0x4230];
	v6 =	vmul.f32 v6, v4  }
0xb4: {  	v5 =	vmul.f32 $1.442695020e+00, v5  }
0xb5: {  	v6 =	vmul.f32 $1.442695020e+00, v6  }
0xb6: {  	v7 =	vmul.f32 v7, v4;
	(erf) = vpow2.f32 v5  }
0xb7: {  	(erf) = vpow2.f32 v6  }
0xb8: {  	v8 =	vmul.f32 v8, v4;
	v5 =	vmul.f32 $1.442695020e+00, v7;
	_ =	sdelay $0x1  }
0xb9: {  	v6 =	vmul.f32 $1.442695020e+00, v8;
	(erf) = vpow2.f32 v5;
	_ =	sdelay $0x1  }
0xba: {  	(erf) = vpow2.f32 v6;
	_ =	sdelay $0x2  }
0xbb: {  	v5 =	vpop (erf)  }
0xbc: {  	v6 =	vpop (erf)  }
0xbd: {  	v9 =	vld [tilespmem:s17+$0x4090];
	v8 =	vadd.f32 v5, v6  }
0xbe: {  	v10 =	vld [tilespmem:s17+$0x4080]  }
0xbf: {  	v7 =	vpop (erf)  }
0xc0: {  	v11 =	vadd.f32 v7, v8  }
0xc1: {  	v12 =	vld [tilespmem:s17+$0x40A0];
	v8 =	vpop (erf)  }
0xc2: {  	v13 =	vld [tilespmem:s17+$0x40B0];
	v9 =	vmul.f32 v9, v4;
	v11 =	vadd.f32 v8, v11  }
0xc3: {  	v14 =	vld [tilespmem:s17+$0x4190];
	v10 =	vmul.f32 v10, v4  }
0xc4: {  	v16 =	vld [tilespmem:s17+$0x4180];
	v9 =	vmul.f32 $1.442695020e+00, v9;
	v15 =	vperm.xlane v11, v0  }
0xc5: {  	v10 =	vmul.f32 $1.442695020e+00, v10  }
0xc6: {  	v12 =	vmul.f32 v12, v4;
	(erf) = vpow2.f32 v9;
	v9 =	vadd.f32 v11, v15  }
0xc7: {  	(erf) = vpow2.f32 v10;
	v10 =	vmul.f32 v13, v4  }
0xc8: {  	v11 =	vmul.f32 $1.442695020e+00, v12;
	v12 =	vld [tilespmem:s17+$0x41A0];
	v13 =	vperm.xlane v9, v1  }
0xc9: {  	v14 =	vmul.f32 v14, v4;
	v16 =	vmul.f32 v16, v4  }
0xca: {  	v10 =	vmul.f32 $1.442695020e+00, v10;
	v15 =	vld [tilespmem:s17+$0x41B0];
	(erf) = vpow2.f32 v11;
	v9 =	vadd.f32 v9, v13  }
0xcb: {  	v11 =	vmul.f32 $1.442695020e+00, v14;
	v14 =	vmul.f32 $1.442695020e+00, v16;
	v13 =	vld [tilespmem:s17+$0x4100]  }
0xcc: {  	(erf) = vpow2.f32 v10;
	v10 =	vperm.xlane v9, v2  }
0xcd: {  	(erf) = vpow2.f32 v11;
	v12 =	vmul.f32 v12, v4  }
0xce: {  	(erf) = vpow2.f32 v14;
	v11 =	vadd.f32 v9, v10  }
0xcf: {  	v16 =	vld [tilespmem:s17+$0x4130];
	v15 =	vmul.f32 v15, v4;
	v12 =	vmul.f32 $1.442695020e+00, v12  }
0xd0: {  	v14 =	vld [tilespmem:s17+$0x4110];
	v13 =	vmul.f32 v13, v4;
	v18 =	vperm.xlane v11, v3  }
0xd1: {  	v17 =	vld [tilespmem:s17+$0x4120];
	v15 =	vmul.f32 $1.442695020e+00, v15;
	v9 =	vpop (erf)  }
0xd2: {  	(erf) = vpow2.f32 v12;
	v10 =	vpop (erf);
	v11 =	vadd.f32 v11, v18  }
0xd3: {  	(erf) = vpow2.f32 v15;
	v19 =	vadd.f32 v9, v10  }
0xd4: {  	v12 =	vmul.f32 $1.442695020e+00, v13;
	v13 =	vpop (erf);
	(erf) = vrcp.f32 v11  }
0xd5: {  	v15 =	vmul.f32 v14, v4;
	v18 =	vadd.f32 v13, v19;
	v11 =	vmul.f32 v16, v4  }
0xd6: {  	v14 =	vpop (erf);
	v16 =	vmul.f32 v17, v4;
	(erf) = vpow2.f32 v12  }
0xd7: {  	v17 =	vmul.f32 $1.442695020e+00, v15;
	v15 =	vadd.f32 v14, v18  }
0xd8: {  	v12 =	vpop (erf);
	v19 =	vmul.f32 $1.442695020e+00, v11;
	v16 =	vmul.f32 $1.442695020e+00, v16  }
0xd9: {  	(erf) = vpow2.f32 v17;
	v11 =	vpop (erf);
	v18 =	vperm.xlane v15, v0  }
0xda: {  	s18 =	simm.s32 $0x800;
	(erf) = vpow2.f32 v19;
	v17 =	vadd.f32 v12, v11  }
.LBB2_4:
0xdb: {  	p0 =	sne.s32 s18, $0xF800;
	v15 =	vadd.f32 v15, v18;
	(erf) = vpow2.f32 v16;
	v18 =	vpop (erf);
	s19 =	smov.u32 s18;
	s18 =	sadd.s32 $0x800, s18  }
0xdc: {  	v22 =	vadd.f32 v18, v17;
	v19 =	vpop (erf)  }
0xdd: {  	v17 =	vperm.xlane v15, v1;
	v20 =	vpop (erf)  }
0xde: {  	v21 =	vadd.f32 v19, v22;
	v5 =	vmul.f32 v20, v5  }
0xdf: {  	v6 =	vmul.f32 v20, v6;
	v8 =	vmul.f32 v20, v8;
	v17 =	vadd.f32 v15, v17;
	v16 =	vpop (erf)  }
0xe0: {  	v22 =	vperm.xlane v21, v0;
	[tilespmem:s17+$0x4210] =	vst v5;
	v5 =	vmul.f32 v20, v7  }
0xe1: {  	v7 =	vperm.xlane v17, v2;
	[tilespmem:s17+$0x4230] =	vst v8  }
0xe2: {  	s19 =	sshra.s32 s19, $0x2;
	v8 =	vadd.f32 v21, v22;
	[tilespmem:s17+$0x4200] =	vst v6;
	v15 =	vpop (erf)  }
0xe3: {  	v6 =	vld [tilespmem:s19+$0x4210];
	v7 =	vadd.f32 v17, v7;
	v20 =	vadd.f32 v15, v16;
	[tilespmem:s17+$0x4220] =	vst v5;
	v21 =	vpop (erf)  }
0xe4: {  	v5 =	vld [tilespmem:s19+$0x4220];
	v22 =	vperm.xlane v8, v1;
	v17 =	vpop (erf)  }
0xe5: {  	v23 =	vld [tilespmem:s19+$0x4230];
	v24 =	vperm.xlane v7, v3;
	v20 =	vadd.f32 v17, v20  }
0xe6: {  	v25 =	vld [tilespmem:s19+$0x4200];
	v8 =	vadd.f32 v8, v22  }
0xe7: {  	v7 =	vadd.f32 v7, v24;
	v20 =	vadd.f32 v21, v20  }
0xe8: {  	v6 =	vmul.f32 v6, v4;
	v22 =	vperm.xlane v8, v2  }
0xe9: {  	v5 =	vmul.f32 v5, v4;
	(erf) = vrcp.f32 v7  }
0xea: {  	v7 =	vperm.xlane v20, v0;
	v6 =	vmul.f32 $1.442695020e+00, v6;
	v8 =	vadd.f32 v8, v22  }
0xeb: {  	v23 =	vmul.f32 v23, v4;
	v22 =	vmul.f32 v25, v4  }
0xec: {  	v5 =	vmul.f32 $1.442695020e+00, v5;
	v7 =	vadd.f32 v20, v7;
	v20 =	vperm.xlane v8, v3  }
0xed: {  	v23 =	vmul.f32 $1.442695020e+00, v23;
	v22 =	vmul.f32 $1.442695020e+00, v22  }
0xee: {  	(erf) = vpow2.f32 v6;
	v6 =	vperm.xlane v7, v1;
	v8 =	vadd.f32 v8, v20  }
0xef: {  	(erf) = vpow2.f32 v22  }
0xf0: {  	v6 =	vadd.f32 v7, v6;
	(erf) = vrcp.f32 v8  }
0xf1: {  	(erf) = vpow2.f32 v5  }
0xf2: {  	v5 =	vperm.xlane v6, v2;
	v7 =	vpop (erf)  }
0xf3: {  	(erf) = vpow2.f32 v23;
	v8 =	vmul.f32 v7, v9  }
0xf4: {  	v9 =	vmul.f32 v7, v10;
	v10 =	vmul.f32 v7, v13;
	v13 =	vadd.f32 v6, v5  }
0xf5: {  	v7 =	vmul.f32 v7, v14;
	[tilespmem:s17+$0x4090] =	vst v8  }
0xf6: {  	v8 =	vld [tilespmem:s19+$0x4090];
	[tilespmem:s17+$0x40A0] =	vst v10;
	v10 =	vperm.xlane v13, v3  }
0xf7: {  	v14 =	vld [tilespmem:s19+$0x40A0];
	v5 =	vpop (erf);
	[tilespmem:s17+$0x4080] =	vst v9  }
0xf8: {  	v9 =	vld [tilespmem:s19+$0x4080];
	v6 =	vpop (erf);
	[tilespmem:s17+$0x40B0] =	vst v7;
	v10 =	vadd.f32 v13, v10  }
0xf9: {  	v13 =	vpop (erf)  }
0xfa: {  	v20 =	vadd.f32 v5, v6;
	v7 =	vpop (erf);
	v12 =	vmul.f32 v13, v12;
	v19 =	vmul.f32 v13, v19  }
0xfb: {  	v22 =	vmul.f32 v8, v4;
	(erf) = vrcp.f32 v10  }
0xfc: {  	v11 =	vmul.f32 v13, v11;
	v20 =	vadd.f32 v7, v20;
	v10 =	vld [tilespmem:s19+$0x40B0];
	v8 =	vpop (erf);
	[tilespmem:s17+$0x4190] =	vst v12;
	v12 =	vmul.f32 v13, v18  }
0xfd: {  	v9 =	vmul.f32 v9, v4;
	v13 =	vmul.f32 $1.442695020e+00, v22;
	v18 =	vld [tilespmem:s19+$0x4190];
	[tilespmem:s17+$0x41B0] =	vst v19  }
0xfe: {  	v14 =	vmul.f32 v14, v4;
	v20 =	vadd.f32 v8, v20;
	v19 =	vld [tilespmem:s19+$0x41B0];
	[tilespmem:s17+$0x4180] =	vst v11  }
0xff: {  	v9 =	vmul.f32 $1.442695020e+00, v9;
	v11 =	vld [tilespmem:s19+$0x4180];
	(erf) = vpow2.f32 v13;
	[tilespmem:s17+$0x41A0] =	vst v12  }
0x100: {  	v12 =	vperm.xlane v20, v0  }
0x101: {  	v13 =	vmul.f32 $1.442695020e+00, v14;
	v14 =	vld [tilespmem:s19+$0x41A0];
	(erf) = vpow2.f32 v9  }
0x102: {  	v9 =	vmul.f32 v10, v4;
	v12 =	vadd.f32 v20, v12;
	v10 =	vmul.f32 v18, v4  }
0x103: {  	v18 =	vmul.f32 v19, v4  }
0x104: {  	v19 =	vmul.f32 $1.442695020e+00, v9;
	v9 =	vperm.xlane v12, v1;
	v20 =	vpop (erf)  }
0x105: {  	v22 =	vmul.f32 $1.442695020e+00, v10;
	v10 =	vmul.f32 v20, v21  }
0x106: {  	v16 =	vmul.f32 v20, v16;
	v14 =	vmul.f32 v14, v4  }
0x107: {  	v11 =	vmul.f32 v11, v4;
	v12 =	vadd.f32 v12, v9;
	(erf) = vpow2.f32 v13;
	[tilespmem:s17+$0x4130] =	vst v10  }
0x108: {  	v13 =	vmul.f32 $1.442695020e+00, v14;
	v9 =	vpop (erf);
	(erf) = vpow2.f32 v19;
	[tilespmem:s17+$0x4100] =	vst v16  }
0x109: {  	v17 =	vmul.f32 v20, v17;
	v16 =	vperm.xlane v12, v2;
	v14 =	vld [tilespmem:s19+$0x4100]  }
0x10a: {  	v15 =	vmul.f32 v20, v15;
	v11 =	vmul.f32 $1.442695020e+00, v11;
	v10 =	vpop (erf)  }
0x10b: {  	v12 =	vadd.f32 v12, v16;
	v19 =	vadd.f32 v9, v10;
	(erf) = vpow2.f32 v22;
	[tilespmem:s17+$0x4120] =	vst v17  }
0x10c: {  	v17 =	vmul.f32 $1.442695020e+00, v18;
	v16 =	vld [tilespmem:s19+$0x4120];
	(erf) = vpow2.f32 v11;
	[tilespmem:s17+$0x4110] =	vst v15;
	s17 =	smov.u32 s19  }
0x10d: {  	v15 =	vperm.xlane v12, v3;
	v11 =	vld [tilespmem:s17+$0x4110]  }
0x10e: {  	v21 =	vmul.f32 v14, v4;
	v18 =	vld [tilespmem:s17+$0x4130]  }
0x10f: {  	v12 =	vadd.f32 v12, v15;
	(erf) = vpow2.f32 v13  }
0x110: {  	v20 =	vmul.f32 $1.442695020e+00, v21;
	v13 =	vpop (erf);
	(erf) = vpow2.f32 v17  }
0x111: {  	v15 =	vadd.f32 v13, v19;
	v14 =	vpop (erf);
	(erf) = vrcp.f32 v12  }
0x112: {  	v21 =	vmul.f32 v16, v4;
	v22 =	vmul.f32 v11, v4  }
.Ltmp1:
0x113: {  	v15 =	vadd.f32 v14, v15;
	v17 =	vmul.f32 v18, v4;
	(erf) = vpow2.f32 v20;
	(pc) =	sbr.rel @p0 .LBB2_4-.Ltmp1, $4  }
0x114: {  	v16 =	vmul.f32 $1.442695020e+00, v21;
	v19 =	vmul.f32 $1.442695020e+00, v22;
	v12 =	vpop (erf)  }
0x115: {  	v20 =	vmul.f32 $1.442695020e+00, v17;
	v11 =	vpop (erf)  }
0x116: {  	v18 =	vperm.xlane v15, v0;
	v17 =	vadd.f32 v12, v11;
	(erf) = vpow2.f32 v19  }
0x117: {  	(erf) = vpow2.f32 v20  }
0x118: {  	(erf) = vpow2.f32 v16;
	_ =	sdelay $0x2  }
0x119: {  	v4 =	vpop (erf)  }
0x11a: {  	v49 =	vpop (erf)  }
0x11b: {  	v17 =	vadd.f32 v4, v17;
	v19 =	vpop (erf)  }
0x11c: {  	v20 =	vpop (erf)  }
0x11d: {  	v15 =	vadd.f32 v15, v18;
	v17 =	vadd.f32 v49, v17;
	v50 =	vpop (erf)  }
0x11e: {  	v21 =	vadd.f32 v50, v20;
	v22 =	vpop (erf)  }
0x11f: {  	v23 =	vperm.xlane v15, v1;
	v25 =	vperm.xlane v17, v0;
	v24 =	vpop (erf)  }
0x120: {  	v21 =	vadd.f32 v24, v21  }
0x121: {  	v15 =	vadd.f32 v15, v23;
	v17 =	vadd.f32 v17, v25  }
0x122: {  	v21 =	vadd.f32 v22, v21  }
0x123: {  	v23 =	vperm.xlane v15, v2;
	v25 =	vperm.xlane v17, v1  }
0x124: {  	v26 =	vperm.xlane v21, v0  }
0x125: {  	v15 =	vadd.f32 v15, v23;
	v17 =	vadd.f32 v17, v25  }
0x126: {  	v21 =	vadd.f32 v21, v26  }
0x127: {  	v23 =	vperm.xlane v15, v3;
	v25 =	vperm.xlane v17, v2  }
0x128: {  	v26 =	vperm.xlane v21, v1  }
0x129: {  	v15 =	vadd.f32 v15, v23;
	v17 =	vadd.f32 v17, v25  }
0x12a: {  	v21 =	vadd.f32 v21, v26  }
0x12b: {  	(erf) = vrcp.f32 v15;
	v51 =	vperm.xlane v17, v3  }
0x12c: {  	v52 =	vperm.xlane v21, v2  }
0x12d: {  	v15 =	vadd.f32 v17, v51  }
0x12e: {  	v53 =	vadd.f32 v21, v52  }
0x12f: {  	(erf) = vrcp.f32 v15  }
0x130: {  	v54 =	vperm.xlane v53, v3  }
0x131: {  	v5 =	vmul.f32 v19, v5  }
0x132: {  	v15 =	vadd.f32 v53, v54  }
0x133: {  	[tilespmem:s17+$0x4210] =	vst v5;
	v5 =	vmul.f32 v19, v6  }
0x134: {  	v8 =	vmul.f32 v19, v8;
	v56 =	vpop (erf);
	(erf) = vrcp.f32 v15  }
0x135: {  	[tilespmem:s17+$0x4200] =	vst v5;
	v5 =	vmul.f32 v56, v9  }
0x136: {  	v55 =	vmul.f32 v19, v7;
	[tilespmem:s17+$0x4230] =	vst v8  }
0x137: {  	[tilespmem:s17+$0x4090] =	vst v5;
	v5 =	vmul.f32 v56, v14  }
0x138: {  	[tilespmem:s17+$0x4220] =	vst v55;
	v57 =	vmul.f32 v56, v13;
	v59 =	vpop (erf)  }
0x139: {  	v58 =	vmul.f32 v56, v10;
	[tilespmem:s17+$0x40B0] =	vst v5;
	v5 =	vmul.f32 v59, v49  }
0x13a: {  	[tilespmem:s17+$0x40A0] =	vst v57;
	v60 =	vmul.f32 v59, v12  }
0x13b: {  	[tilespmem:s17+$0x4080] =	vst v58  }
0x13c: {  	v61 =	vmul.f32 v59, v11;
	[tilespmem:s17+$0x4190] =	vst v60  }
0x13d: {  	v4 =	vmul.f32 v59, v4;
	[tilespmem:s17+$0x41B0] =	vst v5;
	v5 =	vpop (erf)  }
0x13e: {  	[tilespmem:s17+$0x4180] =	vst v61;
	v62 =	vmul.f32 v5, v22  }
0x13f: {  	[tilespmem:s17+$0x41A0] =	vst v4;
	v4 =	vmul.f32 v5, v20  }
0x140: {  	v63 =	vmul.f32 v5, v24;
	[tilespmem:s17+$0x4130] =	vst v62  }
0x141: {  	[tilespmem:s17+$0x4100] =	vst v4;
	v4 =	vmul.f32 v5, v50  }
0x142: {  	[tilespmem:s17+$0x4120] =	vst v63  }
0x143: {  	s16 =	sadd.s32 $0x1, s16;
	[tilespmem:s17+$0x4110] =	vst v4  }
0x144: {  	[hbm4b:s7+s1] =	stream.linear.scatter [tilespmem:s11], [sflag:$0x4], $0x4000, $0x38;
	[tilespmem:$0x8080] =	vst v63  }
0x145: {  	p0 =	sne.s32 s16, s8;
	_ =	swait.ge [sflag:s14], $0x4000  }
.Ltmp2:
0x146: {  	[sflag:s14] =	ssyncset.done $0x0;
	(pc) =	sbr.rel @p0 .LBB2_1-.Ltmp2, $4  }
0x147: {  	[sflag:s14] =	ssyncadd.s32 $0xFFFFC000  }
0x148: {  	_ =	swait.ge [sflag:s15], $0x4000  }
0x149: {  	[sflag:s15] =	ssyncset.done $0x0  }
0x14a: {  	[sflag:s15] =	ssyncadd.s32 $0xFFFFC000  }
0x14b: {  	_ =	sfence.sel $0x180000  }
0x14c: {  	[bflag:$0x0] =	sbarrier.arrive $0xFFFF  }
0x14d: {  	p0 =	sne.s32 s2, $0x0;
	_ =	strace $0x90000047  }
0x14e: {  	s0 =	sadd.s32 @!p0 $0x100000, s0;
	[bflag:$0x2] =	sbarrier.arrive $0xFFFF  }
0x14f: {  	[sflag:s0] =	ssyncadd.tile.s32 @!p0 $0x1;
	_ =	shalt  }
.Lfunc_end2:
_tile_overlayer_lowered:
.L_overlay_start_2:
0x150: {  	(tag) =	ssettag $0x2  }
0x151: {  	s0 =	rddreg [dreg:$0x0];
	s2 =	stileid.u32  }
0x152: {  	s1 =	rddreg [dreg:$0x1];
	p0 =	sne.s32 s2, $0x0  }
0x153: {  	s3 =	rddreg [dreg:$0x2];
	[bflag:$0x3] =	sbarrier.arrive $0xFFFF;
	s2 =	simm.s32 @!p0 $0x1C05  }
0x154: {  	[timem:s3], [sflag:s2] =	dma.local @!p0 [hbm:s0], s1  }
0x155: {  	s0 =	simm.s32 @!p0 $0x5  }
0x156: {  	_ =	swait.ge @!p0 [sflag:s0], s1  }
0x157: {  	s1 =	ssub.s32 @!p0 $0x0, s1;
	[sflag:s0] =	ssyncset.done @!p0 $0x0  }
0x158: {  	[sflag:s0] =	ssyncadd.s32 @!p0 s1  }
0x159: {  	[bflag:$0x3] =	sbarrier.arrive $0xFFFF  }
0x15a: {  	_ =	shalt  }

</sc_bundles>
